<compile_context>
chip_gen: v7x
topology: tpu7x:2x2x1
jax: 0.10.2.dev20260603
libtpu: 0.0.44.dev20260713+nightly
codegen_flags: <defaults>
</compile_context>

<pallas_src>
import functools

import jax
import jax.numpy as jnp
from jax import lax
from jax.experimental import pallas as pl
from jax.experimental.pallas import tpu as pltpu
from jax.experimental.pallas import tpu_sc as plsc

N = 10000
NP = 10240
E = 320000
D = 128
PAD_NODE = 10000

NC = 2
NS = 16
NW = NC * NS
B = 128
S = 80
EP = NW * S * B
RPT = NP // NS

_mesh = plsc.VectorSubcoreMesh(
    core_axis_name="c", subcore_axis_name="s", num_cores=NC, num_subcores=NS)

NB = 2

_AGG_SCRATCH = (
    [pltpu.VMEM((S * B,), jnp.int32)]
    + [pltpu.VMEM((B,), jnp.int32) for _ in range(NB)]
    + [pltpu.VMEM((B, D), jnp.float32) for _ in range(NB)]
    + [pltpu.VMEM_SHARED((NP, D), jnp.float32)]
    + [pltpu.SemaphoreType.DMA for _ in range(3 * NB)]
)


@functools.partial(
    pl.kernel,
    out_type=jax.ShapeDtypeStruct((NC, NP, D), jnp.float32),
    mesh=_mesh,
    scratch_types=_AGG_SCRATCH,
)
def _sc_aggregate(g_hbm, src_hbm, dst_hbm, zrow_hbm, acc_hbm,
                  srcv, *scr):
    idx_d = scr[:NB]
    rows = scr[NB:2 * NB]
    acc_sh = scr[2 * NB]
    sem_g = scr[2 * NB + 1:2 * NB + 1 + NB]
    sem_s = scr[2 * NB + 1 + NB:2 * NB + 1 + 2 * NB]
    sem_i = scr[2 * NB + 1 + 2 * NB:]
    c = lax.axis_index("c")
    s = lax.axis_index("s")
    w = c * NS + s
    pltpu.sync_copy(src_hbm.at[pl.ds(w * S * B, S * B)], srcv)
    pltpu.sync_copy(zrow_hbm, acc_sh.at[pl.ds(s * RPT, RPT)])
    plsc.subcore_barrier()

    for p in range(NB):
        pltpu.async_copy(dst_hbm.at[pl.ds((w * S + p) * B, B)], idx_d[p],
                         sem_i[p])
        pltpu.async_copy(g_hbm.at[srcv.at[pl.ds(p * B, B)]],
                         rows[p], sem_g[p])

    def round_(t, carry):
        for p in range(NB):
            j = t * NB + p
            pltpu.make_async_copy(
                g_hbm.at[srcv.at[pl.ds(0, B)]], rows[p], sem_g[p]).wait()
            pltpu.make_async_copy(
                dst_hbm.at[pl.ds(0, B)], idx_d[p], sem_i[p]).wait()
            pltpu.async_copy(rows[p], acc_sh.at[idx_d[p]], sem_s[p],
                             add=True)

            @pl.when(j + NB < S)
            def _(p=p, j=j):
                pltpu.make_async_copy(
                    rows[p], acc_sh.at[idx_d[p]], sem_s[p]).wait()
                pltpu.async_copy(
                    g_hbm.at[srcv.at[pl.ds((j + NB) * B, B)]],
                    rows[p], sem_g[p])
                pltpu.async_copy(
                    dst_hbm.at[pl.ds((w * S + j + NB) * B, B)], idx_d[p],
                    sem_i[p])
        return carry

    lax.fori_loop(0, S // NB, round_, 0)
    for p in range(NB):
        pltpu.make_async_copy(rows[p], acc_sh.at[idx_d[p]], sem_s[p]).wait()
    plsc.subcore_barrier()
    pltpu.sync_copy(acc_sh.at[pl.ds(s * RPT, RPT)],
                    acc_hbm.at[c, pl.ds(s * RPT, RPT)])


DC = 128

NQ = 2 * NB

_CNT_SCRATCH = (
    [pltpu.VMEM((B,), jnp.int32) for _ in range(NQ)]
    + [pltpu.VMEM((B, DC), jnp.float32)]
    + [pltpu.VMEM_SHARED((NP, DC), jnp.float32)]
    + [pltpu.SemaphoreType.DMA for _ in range(NB + NQ)]
)


@functools.partial(
    pl.kernel,
    out_type=jax.ShapeDtypeStruct((NC, NP, DC), jnp.float32),
    mesh=_mesh,
    scratch_types=_CNT_SCRATCH,
)
def _sc_count(ones_hbm, dst_hbm, zrow_hbm, deg_hbm, *scr):
    idx_d = scr[:NQ]
    rows = scr[NQ]
    acc_sh = scr[NQ + 1]
    sem_s = scr[NQ + 2:NQ + 2 + NB]
    sem_i = scr[NQ + 2 + NB:]
    c = lax.axis_index("c")
    s = lax.axis_index("s")
    w = c * NS + s
    pltpu.sync_copy(ones_hbm, rows)
    pltpu.sync_copy(zrow_hbm, acc_sh.at[pl.ds(s * RPT, RPT)])
    plsc.subcore_barrier()

    for q in range(NQ):
        pltpu.async_copy(dst_hbm.at[pl.ds((w * S + q) * B, B)], idx_d[q],
                         sem_i[q])

    def round_(t, carry):
        for q in range(NQ):
            j = t * NQ + q
            p = q % NB
            pltpu.make_async_copy(
                dst_hbm.at[pl.ds(0, B)], idx_d[q], sem_i[q]).wait()
            pltpu.async_copy(rows, acc_sh.at[idx_d[q]], sem_s[p], add=True)

            @pl.when(j + NB < S)
            def _(p=p, j=j, q=q):
                pltpu.make_async_copy(
                    rows, acc_sh.at[idx_d[q]], sem_s[p]).wait()

                @pl.when(j + NQ < S)
                def _(j=j, q=q):
                    pltpu.async_copy(
                        dst_hbm.at[pl.ds((w * S + j + NQ) * B, B)],
                        idx_d[q], sem_i[q])
        return carry

    lax.fori_loop(0, S // NQ, round_, 0)
    for p in range(NB):
        pltpu.make_async_copy(rows, acc_sh.at[idx_d[NQ - NB + p]],
                              sem_s[p]).wait()
    plsc.subcore_barrier()
    pltpu.sync_copy(acc_sh.at[pl.ds(s * RPT, RPT)],
                    deg_hbm.at[c, pl.ds(s * RPT, RPT)])


_RB = 1024


def _dinv_block(degp):
    deg = 1.0 + degp[0, :, 0:1] + degp[1, :, 0:1]
    return lax.rsqrt(deg)


def _tc_pre_body(x_ref, degp_ref, g0_ref):
    dinv = _dinv_block(degp_ref[...])
    g0_ref[...] = x_ref[...] * dinv


def _tc_mid_body(acc_ref, x_ref, degp_ref, w1_ref, b1_ref, w2_ref,
                 y_ref, g1_ref):
    dinv = _dinv_block(degp_ref[...])
    a0 = dinv * (acc_ref[0] + acc_ref[1]) + (dinv * dinv) * x_ref[...]
    h = jnp.maximum(
        jnp.dot(a0, w1_ref[...], preferred_element_type=jnp.float32)
        + b1_ref[...], 0.0)
    y = jnp.dot(h, w2_ref[...], preferred_element_type=jnp.float32)
    y_ref[...] = y
    g1_ref[...] = y * dinv


def _tc_post_body(acc_ref, y_ref, degp_ref, b2_ref, out_ref):
    dinv = _dinv_block(degp_ref[...])
    out_ref[...] = (dinv * (acc_ref[0] + acc_ref[1])
                    + (dinv * dinv) * y_ref[...] + b2_ref[...])


def _row_spec(d=D):
    return pl.BlockSpec((_RB, d), lambda i: (i, 0))


def _acc_spec(d=D):
    return pl.BlockSpec((NC, _RB, d), lambda i: (0, i, 0))


def _full_spec(shape):
    nd = len(shape)
    return pl.BlockSpec(shape, lambda i: (0,) * nd)


def _tc_pre(x, degp):
    return pl.pallas_call(
        _tc_pre_body,
        grid=(NP // _RB,),
        in_specs=[_row_spec(), _acc_spec(DC)],
        out_specs=_row_spec(),
        out_shape=jax.ShapeDtypeStruct((NP, D), jnp.float32),
    )(x, degp)


def _tc_mid(acc0, x, degp, W1, b1, W2):
    return pl.pallas_call(
        _tc_mid_body,
        grid=(NP // _RB,),
        in_specs=[_acc_spec(), _row_spec(), _acc_spec(DC),
                  _full_spec((D, 2 * D)), _full_spec((1, 2 * D)),
                  _full_spec((2 * D, D))],
        out_specs=[_row_spec(), _row_spec()],
        out_shape=[jax.ShapeDtypeStruct((NP, D), jnp.float32),
                   jax.ShapeDtypeStruct((NP, D), jnp.float32)],
    )(acc0, x, degp, W1, b1, W2)


def _tc_post(acc1, y, degp, b2):
    return pl.pallas_call(
        _tc_post_body,
        grid=(NP // _RB,),
        in_specs=[_acc_spec(), _row_spec(), _acc_spec(DC),
                  _full_spec((1, D))],
        out_specs=_row_spec(),
        out_shape=jax.ShapeDtypeStruct((NP, D), jnp.float32),
    )(acc1, y, degp, b2)


def kernel(x, edge_index, W1, b1, W2, b2):
    xp = jnp.zeros((NP, D), jnp.float32).at[:N].set(x)
    pad = PAD_NODE + jnp.arange(EP - E, dtype=jnp.int32) % (NP - N)
    src = jnp.concatenate([edge_index[0], pad])
    dst = jnp.concatenate([edge_index[1], pad])
    ones_rows = jnp.ones((B, DC), jnp.float32)
    zrow = jnp.zeros((RPT, D), jnp.float32)
    zrow16 = jnp.zeros((RPT, DC), jnp.float32)
    b1r = b1.reshape(1, 2 * D)
    b2r = b2.reshape(1, D)

    degp = _sc_count(ones_rows, dst, zrow16)
    g0 = _tc_pre(xp, degp)
    acc0 = _sc_aggregate(g0, src, dst, zrow)
    y, g1 = _tc_mid(acc0, xp, degp, W1, b1r, W2)
    acc1 = _sc_aggregate(g1, src, dst, zrow)
    return _tc_post(acc1, y, degp, b2r)[:N]

# --- scband reference (transcript-rebuilt; emitter-appended) ---
"""Pipeline reference for scband-gaencoder-36627481101159 (READ-ONLY COPY).

The authoritative reference and input builder live on the scoring server;
editing this copy changes nothing except your own understanding.
"""

import jax, jax.numpy as jnp
import numpy as np

N = 10000
E = 320000
D_IN = 128
D_OUT = 128


def gcn_conv(x, W, b, src, dst, n):
    # GCNConv: D^-1/2 (A + I) D^-1/2 X W + b  (PyG default: add_self_loops=True, normalize=True)
    h = x @ W
    loop = jnp.arange(n, dtype=src.dtype)
    src2 = jnp.concatenate([src, loop])
    dst2 = jnp.concatenate([dst, loop])
    deg = jnp.zeros((n,), dtype=h.dtype).at[dst2].add(1.0)
    deg_inv_sqrt = jnp.where(deg > 0, jax.lax.rsqrt(jnp.maximum(deg, 1e-12)), 0.0)
    norm = deg_inv_sqrt[src2] * deg_inv_sqrt[dst2]
    msgs = h[src2] * norm[:, None]
    out = jnp.zeros((n, h.shape[1]), dtype=h.dtype).at[dst2].add(msgs)
    return out + b


def setup_inputs(seed: int = 0):
    key = jax.random.key(seed)
    k1, k2, k3, k4 = jax.random.split(key, 4)
    x = jax.random.normal(k1, (N, D_IN), dtype=jnp.float32)
    edge_index = jax.random.randint(k2, (2, E), 0, N, dtype=jnp.int32)
    W1 = jax.random.normal(k3, (D_IN, 2 * D_OUT), dtype=jnp.float32) * 0.05
    b1 = jnp.zeros((2 * D_OUT,), dtype=jnp.float32)
    W2 = jax.random.normal(k4, (2 * D_OUT, D_OUT), dtype=jnp.float32) * 0.05
    b2 = jnp.zeros((D_OUT,), dtype=jnp.float32)
    return {"x": x, "edge_index": edge_index, "W1": W1, "b1": b1, "W2": W2, "b2": b2}


def reference(x, edge_index, W1, b1, W2, b2):
    src = edge_index[0]
    dst = edge_index[1]
    n = x.shape[0]
    h = jax.nn.relu(gcn_conv(x, W1, b1, src, dst, n))
    return gcn_conv(h, W2, b2, src, dst, n)

if __name__ == "__main__":
    import jax
    _d = setup_inputs()
    print(jax.jit(kernel)(*tuple(_d.values())))

</pallas_src>

<mosaic_0001>
#map = affine_map<(d0, d1) -> (0, 0)>
#map1 = affine_map<(d0, d1) -> (0)>
#map2 = affine_map<(d0, d1) -> (0, 0, 0)>
module attributes {stable_mosaic.version = 14 : i64} {
  func.func @_sc_aggregate(%arg0: i32, %arg1: i32, %arg2: memref<10240x128xf32, #tpu.memory_space<hbm>>, %arg3: memref<327680xi32, #tpu.memory_space<hbm>>, %arg4: memref<327680xi32, #tpu.memory_space<hbm>>, %arg5: memref<640x128xf32, #tpu.memory_space<hbm>>, %arg6: memref<2x10240x128xf32, #tpu.memory_space<hbm>>, %arg7: memref<10240xi32, #tpu.memory_space<vmem>>, %arg8: memref<128xi32, #tpu.memory_space<vmem>>, %arg9: memref<128xi32, #tpu.memory_space<vmem>>, %arg10: memref<128x128xf32, #tpu.memory_space<vmem>>, %arg11: memref<128x128xf32, #tpu.memory_space<vmem>>, %arg12: memref<10240x128xf32, #tpu.memory_space<vmem_shared>>, %arg13: memref<!tpu.dma_semaphore, #tpu.memory_space<semaphore_mem>>, %arg14: memref<!tpu.dma_semaphore, #tpu.memory_space<semaphore_mem>>, %arg15: memref<!tpu.dma_semaphore, #tpu.memory_space<semaphore_mem>>, %arg16: memref<!tpu.dma_semaphore, #tpu.memory_space<semaphore_mem>>, %arg17: memref<!tpu.dma_semaphore, #tpu.memory_space<semaphore_mem>>, %arg18: memref<!tpu.dma_semaphore, #tpu.memory_space<semaphore_mem>>) attributes {dimension_semantics = [#tpu.dimension_semantics<core_parallel>, #tpu.dimension_semantics<subcore_parallel>], iteration_bounds = array<i64: 2, 16>, scalar_prefetch = 0 : i64, scratch_operands = 12 : i64, tpu.core_type = #tpu.core_type<sc_vector_subcore>, window_params = [{transform_indices = #map}, {transform_indices = #map1}, {transform_indices = #map1}, {transform_indices = #map}, {transform_indices = #map2}]} {
    %mul3A = arith.constant 16 : i32
    %mul3A_0 = arith.muli %arg0, %mul3A : i32
    %add3A = arith.addi %mul3A_0, %arg1 : i32
    %mul3A_1 = arith.constant 80 : i32
    %mul3A_2 = arith.muli %add3A, %mul3A_1 : i32
    %mul3A_3 = arith.constant 128 : i32
    %mul3A_4 = arith.muli %mul3A_2, %mul3A_3 : i32
    "tpu.region"() ({
      %run_scoped3A = tpu.sem_alloc : memref<!tpu.dma_semaphore, #tpu.memory_space<semaphore_mem>>
      %dma_start3A_47 = tpu.memref_slice %arg3[%mul3A_4] : memref<327680xi32, #tpu.memory_space<hbm>> -> memref<10240xi32, #tpu.memory_space<hbm>>
      %dma_start3A_48 = tpu.memref_slice %arg3[%mul3A_4] : memref<327680xi32, #tpu.memory_space<hbm>> -> memref<10240xi32, #tpu.memory_space<hbm>>
      tpu.enqueue_dma source(%dma_start3A_48 : memref<10240xi32, #tpu.memory_space<hbm>>) target(%arg7 : memref<10240xi32, #tpu.memory_space<vmem>>) target_semaphore(%run_scoped3A : memref<!tpu.dma_semaphore, #tpu.memory_space<semaphore_mem>>)
      %dma_wait3A_49 = tpu.memref_slice %arg3[%mul3A_4] : memref<327680xi32, #tpu.memory_space<hbm>> -> memref<10240xi32, #tpu.memory_space<hbm>>
      %dma_wait3A_50 = tpu.memref_slice %arg3[%mul3A_4] : memref<327680xi32, #tpu.memory_space<hbm>> -> memref<10240xi32, #tpu.memory_space<hbm>>
      tpu.wait_dma2 semaphore(%run_scoped3A : memref<!tpu.dma_semaphore, #tpu.memory_space<semaphore_mem>>) src(%dma_wait3A_50 : memref<10240xi32, #tpu.memory_space<hbm>>) dst(%arg7 : memref<10240xi32, #tpu.memory_space<vmem>>)
      tpu.yield
    }) : () -> ()
    %mul3A_5 = arith.constant 640 : i32
    %mul3A_6 = arith.muli %arg1, %mul3A_5 : i32
    "tpu.region"() ({
      %run_scoped3A = tpu.sem_alloc : memref<!tpu.dma_semaphore, #tpu.memory_space<semaphore_mem>>
      %dma_start3A_47 = arith.constant 0 : i32
      %dma_start3A_48 = tpu.memref_slice %arg12[%mul3A_6, %dma_start3A_47] : memref<10240x128xf32, #tpu.memory_space<vmem_shared>> -> memref<640x128xf32, #tpu.memory_space<vmem_shared>>
      tpu.enqueue_dma source(%arg5 : memref<640x128xf32, #tpu.memory_space<hbm>>) target(%dma_start3A_48 : memref<640x128xf32, #tpu.memory_space<vmem_shared>>) target_semaphore(%run_scoped3A : memref<!tpu.dma_semaphore, #tpu.memory_space<semaphore_mem>>)
      %dma_wait3A_49 = arith.constant 0 : i32
      %dma_wait3A_50 = tpu.memref_slice %arg12[%mul3A_6, %dma_wait3A_49] : memref<10240x128xf32, #tpu.memory_space<vmem_shared>> -> memref<640x128xf32, #tpu.memory_space<vmem_shared>>
      tpu.wait_dma2 semaphore(%run_scoped3A : memref<!tpu.dma_semaphore, #tpu.memory_space<semaphore_mem>>) src(%arg5 : memref<640x128xf32, #tpu.memory_space<hbm>>) dst(%dma_wait3A_50 : memref<640x128xf32, #tpu.memory_space<vmem_shared>>)
      tpu.yield
    }) : () -> ()
    %barrier3A = arith.constant 0 : index
    tpu.barrier barrier_id(%barrier3A)
    %mul3A_7 = arith.constant 80 : i32
    %mul3A_8 = arith.muli %add3A, %mul3A_7 : i32
    %add3A_9 = arith.constant 0 : i32
    %add3A_10 = arith.addi %mul3A_8, %add3A_9 : i32
    %mul3A_11 = arith.constant 128 : i32
    %mul3A_12 = arith.muli %add3A_10, %mul3A_11 : i32
    %dma_start3A = tpu.memref_slice %arg4[%mul3A_12] : memref<327680xi32, #tpu.memory_space<hbm>> -> memref<128xi32, #tpu.memory_space<hbm>>
    %dma_start3A_13 = tpu.memref_slice %arg4[%mul3A_12] : memref<327680xi32, #tpu.memory_space<hbm>> -> memref<128xi32, #tpu.memory_space<hbm>>
    tpu.enqueue_dma source(%dma_start3A_13 : memref<128xi32, #tpu.memory_space<hbm>>) target(%arg8 : memref<128xi32, #tpu.memory_space<vmem>>) target_semaphore(%arg17 : memref<!tpu.dma_semaphore, #tpu.memory_space<semaphore_mem>>)
    %dma_start3A_14 = arith.constant 0 : i32
    %dma_start3A_15 = tpu.memref_slice %arg7[%dma_start3A_14] : memref<10240xi32, #tpu.memory_space<vmem>> -> memref<128xi32, #tpu.memory_space<vmem>>
    %dma_start3A_16 = arith.constant 0 : i32
    %dma_start3A_17 = arith.constant 0 : i32
    %dma_start3A_18 = tpu.memref_slice %arg2[%dma_start3A_16, %dma_start3A_17] : memref<10240x128xf32, #tpu.memory_space<hbm>> -> memref<10240x128xf32, #tpu.memory_space<hbm>>
    tpu.enqueue_indirect_dma source(%dma_start3A_18 : memref<10240x128xf32, #tpu.memory_space<hbm>>) target(%arg10 : memref<128x128xf32, #tpu.memory_space<vmem>>) offsets(%dma_start3A_15 : memref<128xi32, #tpu.memory_space<vmem>>) semaphore(%arg13 : memref<!tpu.dma_semaphore, #tpu.memory_space<semaphore_mem>>)
    %mul3A_19 = arith.constant 80 : i32
    %mul3A_20 = arith.muli %add3A, %mul3A_19 : i32
    %add3A_21 = arith.constant 1 : i32
    %add3A_22 = arith.addi %mul3A_20, %add3A_21 : i32
    %mul3A_23 = arith.constant 128 : i32
    %mul3A_24 = arith.muli %add3A_22, %mul3A_23 : i32
    %dma_start3A_25 = tpu.memref_slice %arg4[%mul3A_24] : memref<327680xi32, #tpu.memory_space<hbm>> -> memref<128xi32, #tpu.memory_space<hbm>>
    %dma_start3A_26 = tpu.memref_slice %arg4[%mul3A_24] : memref<327680xi32, #tpu.memory_space<hbm>> -> memref<128xi32, #tpu.memory_space<hbm>>
    tpu.enqueue_dma source(%dma_start3A_26 : memref<128xi32, #tpu.memory_space<hbm>>) target(%arg9 : memref<128xi32, #tpu.memory_space<vmem>>) target_semaphore(%arg18 : memref<!tpu.dma_semaphore, #tpu.memory_space<semaphore_mem>>)
    %dma_start3A_27 = arith.constant 128 : i32
    %dma_start3A_28 = tpu.memref_slice %arg7[%dma_start3A_27] : memref<10240xi32, #tpu.memory_space<vmem>> -> memref<128xi32, #tpu.memory_space<vmem>>
    %dma_start3A_29 = arith.constant 0 : i32
    %dma_start3A_30 = arith.constant 0 : i32
    %dma_start3A_31 = tpu.memref_slice %arg2[%dma_start3A_29, %dma_start3A_30] : memref<10240x128xf32, #tpu.memory_space<hbm>> -> memref<10240x128xf32, #tpu.memory_space<hbm>>
    tpu.enqueue_indirect_dma source(%dma_start3A_31 : memref<10240x128xf32, #tpu.memory_space<hbm>>) target(%arg11 : memref<128x128xf32, #tpu.memory_space<vmem>>) offsets(%dma_start3A_28 : memref<128xi32, #tpu.memory_space<vmem>>) semaphore(%arg14 : memref<!tpu.dma_semaphore, #tpu.memory_space<semaphore_mem>>)
    %scan3A = arith.constant 0 : i32
    %scan3A_32 = arith.constant 0 : i32
    %scan3A_33 = arith.constant 40 : i32
    %scan3A_34 = arith.addi %scan3A_32, %scan3A_33 : i32
    %scan3A_35 = arith.constant 1 : i32
    scf.for %scan3A_47 = %scan3A_32 to %scan3A_34 step %scan3A_35  : i32 {
      %mul3A_48 = arith.constant 2 : i32
      %mul3A_49 = arith.muli %scan3A_47, %mul3A_48 : i32
      %add3A_50 = arith.constant 0 : i32
      %add3A_51 = arith.addi %mul3A_49, %add3A_50 : i32
      %dma_wait3A_52 = arith.constant 0 : i32
      %dma_wait3A_53 = tpu.memref_slice %arg7[%dma_wait3A_52] : memref<10240xi32, #tpu.memory_space<vmem>> -> memref<128xi32, #tpu.memory_space<vmem>>
      %dma_wait3A_54 = arith.constant 0 : i32
      %dma_wait3A_55 = arith.constant 0 : i32
      %dma_wait3A_56 = tpu.memref_slice %arg2[%dma_wait3A_54, %dma_wait3A_55] : memref<10240x128xf32, #tpu.memory_space<hbm>> -> memref<10240x128xf32, #tpu.memory_space<hbm>>
      tpu.wait_indirect_dma semaphore(%arg13 : memref<!tpu.dma_semaphore, #tpu.memory_space<semaphore_mem>>) src(%dma_wait3A_56 : memref<10240x128xf32, #tpu.memory_space<hbm>>) dst(%arg10 : memref<128x128xf32, #tpu.memory_space<vmem>>)
      %dma_wait3A_57 = arith.constant 0 : i32
      %dma_wait3A_58 = tpu.memref_slice %arg4[%dma_wait3A_57] : memref<327680xi32, #tpu.memory_space<hbm>> -> memref<128xi32, #tpu.memory_space<hbm>>
      %dma_wait3A_59 = arith.constant 0 : i32
      %dma_wait3A_60 = tpu.memref_slice %arg4[%dma_wait3A_59] : memref<327680xi32, #tpu.memory_space<hbm>> -> memref<128xi32, #tpu.memory_space<hbm>>
      tpu.wait_dma2 semaphore(%arg17 : memref<!tpu.dma_semaphore, #tpu.memory_space<semaphore_mem>>) src(%dma_wait3A_60 : memref<128xi32, #tpu.memory_space<hbm>>) dst(%arg8 : memref<128xi32, #tpu.memory_space<vmem>>)
      %dma_start3A_61 = arith.constant 0 : i32
      %dma_start3A_62 = arith.constant 0 : i32
      %dma_start3A_63 = tpu.memref_slice %arg12[%dma_start3A_61, %dma_start3A_62] : memref<10240x128xf32, #tpu.memory_space<vmem_shared>> -> memref<10240x128xf32, #tpu.memory_space<vmem_shared>>
      tpu.enqueue_indirect_dma source(%arg10 : memref<128x128xf32, #tpu.memory_space<vmem>>) target(%dma_start3A_63 : memref<10240x128xf32, #tpu.memory_space<vmem_shared>>) offsets(%arg8 : memref<128xi32, #tpu.memory_space<vmem>>) semaphore(%arg15 : memref<!tpu.dma_semaphore, #tpu.memory_space<semaphore_mem>>) {add = true}
      %add3A_64 = arith.constant 2 : i32
      %add3A_65 = arith.addi %add3A_51, %add3A_64 : i32
      %lt3A = arith.constant 80 : i32
      %lt3A_66 = arith.cmpi slt, %add3A_65, %lt3A : i32
      %convert_element_type3A = arith.extui %lt3A_66 : i1 to i32
      %cond3A = arith.constant 0 : i32
      %cond3A_67 = arith.cmpi ne, %convert_element_type3A, %cond3A : i32
      scf.if %cond3A_67 {
        %dma_wait3A_91 = arith.constant 0 : i32
        %dma_wait3A_92 = arith.constant 0 : i32
        %dma_wait3A_93 = tpu.memref_slice %arg12[%dma_wait3A_91, %dma_wait3A_92] : memref<10240x128xf32, #tpu.memory_space<vmem_shared>> -> memref<10240x128xf32, #tpu.memory_space<vmem_shared>>
        tpu.wait_indirect_dma semaphore(%arg15 : memref<!tpu.dma_semaphore, #tpu.memory_space<semaphore_mem>>) src(%arg10 : memref<128x128xf32, #tpu.memory_space<vmem>>) dst(%dma_wait3A_93 : memref<10240x128xf32, #tpu.memory_space<vmem_shared>>)
        %add3A_94 = arith.constant 2 : i32
        %add3A_95 = arith.addi %add3A_51, %add3A_94 : i32
        %mul3A_96 = arith.constant 128 : i32
        %mul3A_97 = arith.muli %add3A_95, %mul3A_96 : i32
        %dma_start3A_98 = tpu.memref_slice %arg7[%mul3A_97] : memref<10240xi32, #tpu.memory_space<vmem>> -> memref<128xi32, #tpu.memory_space<vmem>>
        %dma_start3A_99 = arith.constant 0 : i32
        %dma_start3A_100 = arith.constant 0 : i32
        %dma_start3A_101 = tpu.memref_slice %arg2[%dma_start3A_99, %dma_start3A_100] : memref<10240x128xf32, #tpu.memory_space<hbm>> -> memref<10240x128xf32, #tpu.memory_space<hbm>>
        tpu.enqueue_indirect_dma source(%dma_start3A_101 : memref<10240x128xf32, #tpu.memory_space<hbm>>) target(%arg10 : memref<128x128xf32, #tpu.memory_space<vmem>>) offsets(%dma_start3A_98 : memref<128xi32, #tpu.memory_space<vmem>>) semaphore(%arg13 : memref<!tpu.dma_semaphore, #tpu.memory_space<semaphore_mem>>)
        %mul3A_102 = arith.constant 80 : i32
        %mul3A_103 = arith.muli %add3A, %mul3A_102 : i32
        %add3A_104 = arith.addi %mul3A_103, %add3A_51 : i32
        %add3A_105 = arith.constant 2 : i32
        %add3A_106 = arith.addi %add3A_104, %add3A_105 : i32
        %mul3A_107 = arith.constant 128 : i32
        %mul3A_108 = arith.muli %add3A_106, %mul3A_107 : i32
        %dma_start3A_109 = tpu.memref_slice %arg4[%mul3A_108] : memref<327680xi32, #tpu.memory_space<hbm>> -> memref<128xi32, #tpu.memory_space<hbm>>
        %dma_start3A_110 = tpu.memref_slice %arg4[%mul3A_108] : memref<327680xi32, #tpu.memory_space<hbm>> -> memref<128xi32, #tpu.memory_space<hbm>>
        tpu.enqueue_dma source(%dma_start3A_110 : memref<128xi32, #tpu.memory_space<hbm>>) target(%arg8 : memref<128xi32, #tpu.memory_space<vmem>>) target_semaphore(%arg17 : memref<!tpu.dma_semaphore, #tpu.memory_space<semaphore_mem>>)
      } else {
      }
      %mul3A_68 = arith.constant 2 : i32
      %mul3A_69 = arith.muli %scan3A_47, %mul3A_68 : i32
      %add3A_70 = arith.constant 1 : i32
      %add3A_71 = arith.addi %mul3A_69, %add3A_70 : i32
      %dma_wait3A_72 = arith.constant 0 : i32
      %dma_wait3A_73 = tpu.memref_slice %arg7[%dma_wait3A_72] : memref<10240xi32, #tpu.memory_space<vmem>> -> memref<128xi32, #tpu.memory_space<vmem>>
      %dma_wait3A_74 = arith.constant 0 : i32
      %dma_wait3A_75 = arith.constant 0 : i32
      %dma_wait3A_76 = tpu.memref_slice %arg2[%dma_wait3A_74, %dma_wait3A_75] : memref<10240x128xf32, #tpu.memory_space<hbm>> -> memref<10240x128xf32, #tpu.memory_space<hbm>>
      tpu.wait_indirect_dma semaphore(%arg14 : memref<!tpu.dma_semaphore, #tpu.memory_space<semaphore_mem>>) src(%dma_wait3A_76 : memref<10240x128xf32, #tpu.memory_space<hbm>>) dst(%arg11 : memref<128x128xf32, #tpu.memory_space<vmem>>)
      %dma_wait3A_77 = arith.constant 0 : i32
      %dma_wait3A_78 = tpu.memref_slice %arg4[%dma_wait3A_77] : memref<327680xi32, #tpu.memory_space<hbm>> -> memref<128xi32, #tpu.memory_space<hbm>>
      %dma_wait3A_79 = arith.constant 0 : i32
      %dma_wait3A_80 = tpu.memref_slice %arg4[%dma_wait3A_79] : memref<327680xi32, #tpu.memory_space<hbm>> -> memref<128xi32, #tpu.memory_space<hbm>>
      tpu.wait_dma2 semaphore(%arg18 : memref<!tpu.dma_semaphore, #tpu.memory_space<semaphore_mem>>) src(%dma_wait3A_80 : memref<128xi32, #tpu.memory_space<hbm>>) dst(%arg9 : memref<128xi32, #tpu.memory_space<vmem>>)
      %dma_start3A_81 = arith.constant 0 : i32
      %dma_start3A_82 = arith.constant 0 : i32
      %dma_start3A_83 = tpu.memref_slice %arg12[%dma_start3A_81, %dma_start3A_82] : memref<10240x128xf32, #tpu.memory_space<vmem_shared>> -> memref<10240x128xf32, #tpu.memory_space<vmem_shared>>
      tpu.enqueue_indirect_dma source(%arg11 : memref<128x128xf32, #tpu.memory_space<vmem>>) target(%dma_start3A_83 : memref<10240x128xf32, #tpu.memory_space<vmem_shared>>) offsets(%arg9 : memref<128xi32, #tpu.memory_space<vmem>>) semaphore(%arg16 : memref<!tpu.dma_semaphore, #tpu.memory_space<semaphore_mem>>) {add = true}
      %add3A_84 = arith.constant 2 : i32
      %add3A_85 = arith.addi %add3A_71, %add3A_84 : i32
      %lt3A_86 = arith.constant 80 : i32
      %lt3A_87 = arith.cmpi slt, %add3A_85, %lt3A_86 : i32
      %convert_element_type3A_88 = arith.extui %lt3A_87 : i1 to i32
      %cond3A_89 = arith.constant 0 : i32
      %cond3A_90 = arith.cmpi ne, %convert_element_type3A_88, %cond3A_89 : i32
      scf.if %cond3A_90 {
        %dma_wait3A_91 = arith.constant 0 : i32
        %dma_wait3A_92 = arith.constant 0 : i32
        %dma_wait3A_93 = tpu.memref_slice %arg12[%dma_wait3A_91, %dma_wait3A_92] : memref<10240x128xf32, #tpu.memory_space<vmem_shared>> -> memref<10240x128xf32, #tpu.memory_space<vmem_shared>>
        tpu.wait_indirect_dma semaphore(%arg16 : memref<!tpu.dma_semaphore, #tpu.memory_space<semaphore_mem>>) src(%arg11 : memref<128x128xf32, #tpu.memory_space<vmem>>) dst(%dma_wait3A_93 : memref<10240x128xf32, #tpu.memory_space<vmem_shared>>)
        %add3A_94 = arith.constant 2 : i32
        %add3A_95 = arith.addi %add3A_71, %add3A_94 : i32
        %mul3A_96 = arith.constant 128 : i32
        %mul3A_97 = arith.muli %add3A_95, %mul3A_96 : i32
        %dma_start3A_98 = tpu.memref_slice %arg7[%mul3A_97] : memref<10240xi32, #tpu.memory_space<vmem>> -> memref<128xi32, #tpu.memory_space<vmem>>
        %dma_start3A_99 = arith.constant 0 : i32
        %dma_start3A_100 = arith.constant 0 : i32
        %dma_start3A_101 = tpu.memref_slice %arg2[%dma_start3A_99, %dma_start3A_100] : memref<10240x128xf32, #tpu.memory_space<hbm>> -> memref<10240x128xf32, #tpu.memory_space<hbm>>
        tpu.enqueue_indirect_dma source(%dma_start3A_101 : memref<10240x128xf32, #tpu.memory_space<hbm>>) target(%arg11 : memref<128x128xf32, #tpu.memory_space<vmem>>) offsets(%dma_start3A_98 : memref<128xi32, #tpu.memory_space<vmem>>) semaphore(%arg14 : memref<!tpu.dma_semaphore, #tpu.memory_space<semaphore_mem>>)
        %mul3A_102 = arith.constant 80 : i32
        %mul3A_103 = arith.muli %add3A, %mul3A_102 : i32
        %add3A_104 = arith.addi %mul3A_103, %add3A_71 : i32
        %add3A_105 = arith.constant 2 : i32
        %add3A_106 = arith.addi %add3A_104, %add3A_105 : i32
        %mul3A_107 = arith.constant 128 : i32
        %mul3A_108 = arith.muli %add3A_106, %mul3A_107 : i32
        %dma_start3A_109 = tpu.memref_slice %arg4[%mul3A_108] : memref<327680xi32, #tpu.memory_space<hbm>> -> memref<128xi32, #tpu.memory_space<hbm>>
        %dma_start3A_110 = tpu.memref_slice %arg4[%mul3A_108] : memref<327680xi32, #tpu.memory_space<hbm>> -> memref<128xi32, #tpu.memory_space<hbm>>
        tpu.enqueue_dma source(%dma_start3A_110 : memref<128xi32, #tpu.memory_space<hbm>>) target(%arg9 : memref<128xi32, #tpu.memory_space<vmem>>) target_semaphore(%arg18 : memref<!tpu.dma_semaphore, #tpu.memory_space<semaphore_mem>>)
      } else {
      }
    }
    %scan3A_36 = arith.constant 40 : i32
    %dma_wait3A = arith.constant 0 : i32
    %dma_wait3A_37 = arith.constant 0 : i32
    %dma_wait3A_38 = tpu.memref_slice %arg12[%dma_wait3A, %dma_wait3A_37] : memref<10240x128xf32, #tpu.memory_space<vmem_shared>> -> memref<10240x128xf32, #tpu.memory_space<vmem_shared>>
    tpu.wait_indirect_dma semaphore(%arg15 : memref<!tpu.dma_semaphore, #tpu.memory_space<semaphore_mem>>) src(%arg10 : memref<128x128xf32, #tpu.memory_space<vmem>>) dst(%dma_wait3A_38 : memref<10240x128xf32, #tpu.memory_space<vmem_shared>>)
    %dma_wait3A_39 = arith.constant 0 : i32
    %dma_wait3A_40 = arith.constant 0 : i32
    %dma_wait3A_41 = tpu.memref_slice %arg12[%dma_wait3A_39, %dma_wait3A_40] : memref<10240x128xf32, #tpu.memory_space<vmem_shared>> -> memref<10240x128xf32, #tpu.memory_space<vmem_shared>>
    tpu.wait_indirect_dma semaphore(%arg16 : memref<!tpu.dma_semaphore, #tpu.memory_space<semaphore_mem>>) src(%arg11 : memref<128x128xf32, #tpu.memory_space<vmem>>) dst(%dma_wait3A_41 : memref<10240x128xf32, #tpu.memory_space<vmem_shared>>)
    %barrier3A_42 = arith.constant 0 : index
    tpu.barrier barrier_id(%barrier3A_42)
    %mul3A_43 = arith.constant 640 : i32
    %mul3A_44 = arith.muli %arg1, %mul3A_43 : i32
    %mul3A_45 = arith.constant 640 : i32
    %mul3A_46 = arith.muli %arg1, %mul3A_45 : i32
    "tpu.region"() ({
      %run_scoped3A = tpu.sem_alloc : memref<!tpu.dma_semaphore, #tpu.memory_space<semaphore_mem>>
      %dma_start3A_47 = arith.constant 0 : i32
      %dma_start3A_48 = tpu.memref_slice %arg6[%arg0, %mul3A_46, %dma_start3A_47] : memref<2x10240x128xf32, #tpu.memory_space<hbm>> -> memref<1x640x128xf32, #tpu.memory_space<hbm>>
      %dma_start3A_49 = tpu.memref_squeeze %dma_start3A_48 : memref<1x640x128xf32, #tpu.memory_space<hbm>> -> memref<640x128xf32, #tpu.memory_space<hbm>>
      %dma_start3A_50 = arith.constant 0 : i32
      %dma_start3A_51 = tpu.memref_slice %arg12[%mul3A_44, %dma_start3A_50] : memref<10240x128xf32, #tpu.memory_space<vmem_shared>> -> memref<640x128xf32, #tpu.memory_space<vmem_shared>>
      tpu.enqueue_dma source(%dma_start3A_51 : memref<640x128xf32, #tpu.memory_space<vmem_shared>>) target(%dma_start3A_49 : memref<640x128xf32, #tpu.memory_space<hbm>>) target_semaphore(%run_scoped3A : memref<!tpu.dma_semaphore, #tpu.memory_space<semaphore_mem>>)
      %dma_wait3A_52 = arith.constant 0 : i32
      %dma_wait3A_53 = tpu.memref_slice %arg6[%arg0, %mul3A_46, %dma_wait3A_52] : memref<2x10240x128xf32, #tpu.memory_space<hbm>> -> memref<1x640x128xf32, #tpu.memory_space<hbm>>
      %dma_wait3A_54 = tpu.memref_squeeze %dma_wait3A_53 : memref<1x640x128xf32, #tpu.memory_space<hbm>> -> memref<640x128xf32, #tpu.memory_space<hbm>>
      %dma_wait3A_55 = arith.constant 0 : i32
      %dma_wait3A_56 = tpu.memref_slice %arg12[%mul3A_44, %dma_wait3A_55] : memref<10240x128xf32, #tpu.memory_space<vmem_shared>> -> memref<640x128xf32, #tpu.memory_space<vmem_shared>>
      tpu.wait_dma2 semaphore(%run_scoped3A : memref<!tpu.dma_semaphore, #tpu.memory_space<semaphore_mem>>) src(%dma_wait3A_56 : memref<640x128xf32, #tpu.memory_space<vmem_shared>>) dst(%dma_wait3A_54 : memref<640x128xf32, #tpu.memory_space<hbm>>)
      tpu.yield
    }) : () -> ()
    return
  }
}

#map = affine_map<(d0, d1) -> (0, 0)>
#map1 = affine_map<(d0, d1) -> (0)>
#map2 = affine_map<(d0, d1) -> (0, 0, 0)>
module attributes {stable_mosaic.version = 14 : i64} {
  func.func @_sc_aggregate(%arg0: i32, %arg1: i32, %arg2: memref<10240x128xf32, #tpu.memory_space<hbm>>, %arg3: memref<327680xi32, #tpu.memory_space<hbm>>, %arg4: memref<327680xi32, #tpu.memory_space<hbm>>, %arg5: memref<640x128xf32, #tpu.memory_space<hbm>>, %arg6: memref<2x10240x128xf32, #tpu.memory_space<hbm>>, %arg7: memref<10240xi32, #tpu.memory_space<vmem>>, %arg8: memref<128xi32, #tpu.memory_space<vmem>>, %arg9: memref<128xi32, #tpu.memory_space<vmem>>, %arg10: memref<128x128xf32, #tpu.memory_space<vmem>>, %arg11: memref<128x128xf32, #tpu.memory_space<vmem>>, %arg12: memref<10240x128xf32, #tpu.memory_space<vmem_shared>>, %arg13: memref<!tpu.dma_semaphore, #tpu.memory_space<semaphore_mem>>, %arg14: memref<!tpu.dma_semaphore, #tpu.memory_space<semaphore_mem>>, %arg15: memref<!tpu.dma_semaphore, #tpu.memory_space<semaphore_mem>>, %arg16: memref<!tpu.dma_semaphore, #tpu.memory_space<semaphore_mem>>, %arg17: memref<!tpu.dma_semaphore, #tpu.memory_space<semaphore_mem>>, %arg18: memref<!tpu.dma_semaphore, #tpu.memory_space<semaphore_mem>>) attributes {dimension_semantics = [#tpu.dimension_semantics<core_parallel>, #tpu.dimension_semantics<subcore_parallel>], iteration_bounds = array<i64: 2, 16>, scalar_prefetch = 0 : i64, scratch_operands = 12 : i64, tpu.core_type = #tpu.core_type<sc_vector_subcore>, window_params = [{transform_indices = #map}, {transform_indices = #map1}, {transform_indices = #map1}, {transform_indices = #map}, {transform_indices = #map2}]} {
    %mul3A = arith.constant 16 : i32
    %mul3A_0 = arith.muli %arg0, %mul3A : i32
    %add3A = arith.addi %mul3A_0, %arg1 : i32
    %mul3A_1 = arith.constant 80 : i32
    %mul3A_2 = arith.muli %add3A, %mul3A_1 : i32
    %mul3A_3 = arith.constant 128 : i32
    %mul3A_4 = arith.muli %mul3A_2, %mul3A_3 : i32
    "tpu.region"() ({
      %run_scoped3A = tpu.sem_alloc : memref<!tpu.dma_semaphore, #tpu.memory_space<semaphore_mem>>
      %dma_start3A_47 = tpu.memref_slice %arg3[%mul3A_4] : memref<327680xi32, #tpu.memory_space<hbm>> -> memref<10240xi32, #tpu.memory_space<hbm>>
      %dma_start3A_48 = tpu.memref_slice %arg3[%mul3A_4] : memref<327680xi32, #tpu.memory_space<hbm>> -> memref<10240xi32, #tpu.memory_space<hbm>>
      tpu.enqueue_dma source(%dma_start3A_48 : memref<10240xi32, #tpu.memory_space<hbm>>) target(%arg7 : memref<10240xi32, #tpu.memory_space<vmem>>) target_semaphore(%run_scoped3A : memref<!tpu.dma_semaphore, #tpu.memory_space<semaphore_mem>>)
      %dma_wait3A_49 = tpu.memref_slice %arg3[%mul3A_4] : memref<327680xi32, #tpu.memory_space<hbm>> -> memref<10240xi32, #tpu.memory_space<hbm>>
      %dma_wait3A_50 = tpu.memref_slice %arg3[%mul3A_4] : memref<327680xi32, #tpu.memory_space<hbm>> -> memref<10240xi32, #tpu.memory_space<hbm>>
      tpu.wait_dma2 semaphore(%run_scoped3A : memref<!tpu.dma_semaphore, #tpu.memory_space<semaphore_mem>>) src(%dma_wait3A_50 : memref<10240xi32, #tpu.memory_space<hbm>>) dst(%arg7 : memref<10240xi32, #tpu.memory_space<vmem>>)
      tpu.yield
    }) : () -> ()
    %mul3A_5 = arith.constant 640 : i32
    %mul3A_6 = arith.muli %arg1, %mul3A_5 : i32
    "tpu.region"() ({
      %run_scoped3A = tpu.sem_alloc : memref<!tpu.dma_semaphore, #tpu.memory_space<semaphore_mem>>
      %dma_start3A_47 = arith.constant 0 : i32
      %dma_start3A_48 = tpu.memref_slice %arg12[%mul3A_6, %dma_start3A_47] : memref<10240x128xf32, #tpu.memory_space<vmem_shared>> -> memref<640x128xf32, #tpu.memory_space<vmem_shared>>
      tpu.enqueue_dma source(%arg5 : memref<640x128xf32, #tpu.memory_space<hbm>>) target(%dma_start3A_48 : memref<640x128xf32, #tpu.memory_space<vmem_shared>>) target_semaphore(%run_scoped3A : memref<!tpu.dma_semaphore, #tpu.memory_space<semaphore_mem>>)
      %dma_wait3A_49 = arith.constant 0 : i32
      %dma_wait3A_50 = tpu.memref_slice %arg12[%mul3A_6, %dma_wait3A_49] : memref<10240x128xf32, #tpu.memory_space<vmem_shared>> -> memref<640x128xf32, #tpu.memory_space<vmem_shared>>
      tpu.wait_dma2 semaphore(%run_scoped3A : memref<!tpu.dma_semaphore, #tpu.memory_space<semaphore_mem>>) src(%arg5 : memref<640x128xf32, #tpu.memory_space<hbm>>) dst(%dma_wait3A_50 : memref<640x128xf32, #tpu.memory_space<vmem_shared>>)
      tpu.yield
    }) : () -> ()
    %barrier3A = arith.constant 0 : index
    tpu.barrier barrier_id(%barrier3A)
    %mul3A_7 = arith.constant 80 : i32
    %mul3A_8 = arith.muli %add3A, %mul3A_7 : i32
    %add3A_9 = arith.constant 0 : i32
    %add3A_10 = arith.addi %mul3A_8, %add3A_9 : i32
    %mul3A_11 = arith.constant 128 : i32
    %mul3A_12 = arith.muli %add3A_10, %mul3A_11 : i32
    %dma_start3A = tpu.memref_slice %arg4[%mul3A_12] : memref<327680xi32, #tpu.memory_space<hbm>> -> memref<128xi32, #tpu.memory_space<hbm>>
    %dma_start3A_13 = tpu.memref_slice %arg4[%mul3A_12] : memref<327680xi32, #tpu.memory_space<hbm>> -> memref<128xi32, #tpu.memory_space<hbm>>
    tpu.enqueue_dma source(%dma_start3A_13 : memref<128xi32, #tpu.memory_space<hbm>>) target(%arg8 : memref<128xi32, #tpu.memory_space<vmem>>) target_semaphore(%arg17 : memref<!tpu.dma_semaphore, #tpu.memory_space<semaphore_mem>>)
    %dma_start3A_14 = arith.constant 0 : i32
    %dma_start3A_15 = tpu.memref_slice %arg7[%dma_start3A_14] : memref<10240xi32, #tpu.memory_space<vmem>> -> memref<128xi32, #tpu.memory_space<vmem>>
    %dma_start3A_16 = arith.constant 0 : i32
    %dma_start3A_17 = arith.constant 0 : i32
    %dma_start3A_18 = tpu.memref_slice %arg2[%dma_start3A_16, %dma_start3A_17] : memref<10240x128xf32, #tpu.memory_space<hbm>> -> memref<10240x128xf32, #tpu.memory_space<hbm>>
    tpu.enqueue_indirect_dma source(%dma_start3A_18 : memref<10240x128xf32, #tpu.memory_space<hbm>>) target(%arg10 : memref<128x128xf32, #tpu.memory_space<vmem>>) offsets(%dma_start3A_15 : memref<128xi32, #tpu.memory_space<vmem>>) semaphore(%arg13 : memref<!tpu.dma_semaphore, #tpu.memory_space<semaphore_mem>>)
    %mul3A_19 = arith.constant 80 : i32
    %mul3A_20 = arith.muli %add3A, %mul3A_19 : i32
    %add3A_21 = arith.constant 1 : i32
    %add3A_22 = arith.addi %mul3A_20, %add3A_21 : i32
    %mul3A_23 = arith.constant 128 : i32
    %mul3A_24 = arith.muli %add3A_22, %mul3A_23 : i32
    %dma_start3A_25 = tpu.memref_slice %arg4[%mul3A_24] : memref<327680xi32, #tpu.memory_space<hbm>> -> memref<128xi32, #tpu.memory_space<hbm>>
    %dma_start3A_26 = tpu.memref_slice %arg4[%mul3A_24] : memref<327680xi32, #tpu.memory_space<hbm>> -> memref<128xi32, #tpu.memory_space<hbm>>
    tpu.enqueue_dma source(%dma_start3A_26 : memref<128xi32, #tpu.memory_space<hbm>>) target(%arg9 : memref<128xi32, #tpu.memory_space<vmem>>) target_semaphore(%arg18 : memref<!tpu.dma_semaphore, #tpu.memory_space<semaphore_mem>>)
    %dma_start3A_27 = arith.constant 128 : i32
    %dma_start3A_28 = tpu.memref_slice %arg7[%dma_start3A_27] : memref<10240xi32, #tpu.memory_space<vmem>> -> memref<128xi32, #tpu.memory_space<vmem>>
    %dma_start3A_29 = arith.constant 0 : i32
    %dma_start3A_30 = arith.constant 0 : i32
    %dma_start3A_31 = tpu.memref_slice %arg2[%dma_start3A_29, %dma_start3A_30] : memref<10240x128xf32, #tpu.memory_space<hbm>> -> memref<10240x128xf32, #tpu.memory_space<hbm>>
    tpu.enqueue_indirect_dma source(%dma_start3A_31 : memref<10240x128xf32, #tpu.memory_space<hbm>>) target(%arg11 : memref<128x128xf32, #tpu.memory_space<vmem>>) offsets(%dma_start3A_28 : memref<128xi32, #tpu.memory_space<vmem>>) semaphore(%arg14 : memref<!tpu.dma_semaphore, #tpu.memory_space<semaphore_mem>>)
    %scan3A = arith.constant 0 : i32
    %scan3A_32 = arith.constant 0 : i32
    %scan3A_33 = arith.constant 40 : i32
    %scan3A_34 = arith.addi %scan3A_32, %scan3A_33 : i32
    %scan3A_35 = arith.constant 1 : i32
    scf.for %scan3A_47 = %scan3A_32 to %scan3A_34 step %scan3A_35  : i32 {
      %mul3A_48 = arith.constant 2 : i32
      %mul3A_49 = arith.muli %scan3A_47, %mul3A_48 : i32
      %add3A_50 = arith.constant 0 : i32
      %add3A_51 = arith.addi %mul3A_49, %add3A_50 : i32
      %dma_wait3A_52 = arith.constant 0 : i32
      %dma_wait3A_53 = tpu.memref_slice %arg7[%dma_wait3A_52] : memref<10240xi32, #tpu.memory_space<vmem>> -> memref<128xi32, #tpu.memory_space<vmem>>
      %dma_wait3A_54 = arith.constant 0 : i32
      %dma_wait3A_55 = arith.constant 0 : i32
      %dma_wait3A_56 = tpu.memref_slice %arg2[%dma_wait3A_54, %dma_wait3A_55] : memref<10240x128xf32, #tpu.memory_space<hbm>> -> memref<10240x128xf32, #tpu.memory_space<hbm>>
      tpu.wait_indirect_dma semaphore(%arg13 : memref<!tpu.dma_semaphore, #tpu.memory_space<semaphore_mem>>) src(%dma_wait3A_56 : memref<10240x128xf32, #tpu.memory_space<hbm>>) dst(%arg10 : memref<128x128xf32, #tpu.memory_space<vmem>>)
      %dma_wait3A_57 = arith.constant 0 : i32
      %dma_wait3A_58 = tpu.memref_slice %arg4[%dma_wait3A_57] : memref<327680xi32, #tpu.memory_space<hbm>> -> memref<128xi32, #tpu.memory_space<hbm>>
      %dma_wait3A_59 = arith.constant 0 : i32
      %dma_wait3A_60 = tpu.memref_slice %arg4[%dma_wait3A_59] : memref<327680xi32, #tpu.memory_space<hbm>> -> memref<128xi32, #tpu.memory_space<hbm>>
      tpu.wait_dma2 semaphore(%arg17 : memref<!tpu.dma_semaphore, #tpu.memory_space<semaphore_mem>>) src(%dma_wait3A_60 : memref<128xi32, #tpu.memory_space<hbm>>) dst(%arg8 : memref<128xi32, #tpu.memory_space<vmem>>)
      %dma_start3A_61 = arith.constant 0 : i32
      %dma_start3A_62 = arith.constant 0 : i32
      %dma_start3A_63 = tpu.memref_slice %arg12[%dma_start3A_61, %dma_start3A_62] : memref<10240x128xf32, #tpu.memory_space<vmem_shared>> -> memref<10240x128xf32, #tpu.memory_space<vmem_shared>>
      tpu.enqueue_indirect_dma source(%arg10 : memref<128x128xf32, #tpu.memory_space<vmem>>) target(%dma_start3A_63 : memref<10240x128xf32, #tpu.memory_space<vmem_shared>>) offsets(%arg8 : memref<128xi32, #tpu.memory_space<vmem>>) semaphore(%arg15 : memref<!tpu.dma_semaphore, #tpu.memory_space<semaphore_mem>>) {add = true}
      %add3A_64 = arith.constant 2 : i32
      %add3A_65 = arith.addi %add3A_51, %add3A_64 : i32
      %lt3A = arith.constant 80 : i32
      %lt3A_66 = arith.cmpi slt, %add3A_65, %lt3A : i32
      %convert_element_type3A = arith.extui %lt3A_66 : i1 to i32
      %cond3A = arith.constant 0 : i32
      %cond3A_67 = arith.cmpi ne, %convert_element_type3A, %cond3A : i32
      scf.if %cond3A_67 {
        %dma_wait3A_91 = arith.constant 0 : i32
        %dma_wait3A_92 = arith.constant 0 : i32
        %dma_wait3A_93 = tpu.memref_slice %arg12[%dma_wait3A_91, %dma_wait3A_92] : memref<10240x128xf32, #tpu.memory_space<vmem_shared>> -> memref<10240x128xf32, #tpu.memory_space<vmem_shared>>
        tpu.wait_indirect_dma semaphore(%arg15 : memref<!tpu.dma_semaphore, #tpu.memory_space<semaphore_mem>>) src(%arg10 : memref<128x128xf32, #tpu.memory_space<vmem>>) dst(%dma_wait3A_93 : memref<10240x128xf32, #tpu.memory_space<vmem_shared>>)
        %add3A_94 = arith.constant 2 : i32
        %add3A_95 = arith.addi %add3A_51, %add3A_94 : i32
        %mul3A_96 = arith.constant 128 : i32
        %mul3A_97 = arith.muli %add3A_95, %mul3A_96 : i32
        %dma_start3A_98 = tpu.memref_slice %arg7[%mul3A_97] : memref<10240xi32, #tpu.memory_space<vmem>> -> memref<128xi32, #tpu.memory_space<vmem>>
        %dma_start3A_99 = arith.constant 0 : i32
        %dma_start3A_100 = arith.constant 0 : i32
        %dma_start3A_101 = tpu.memref_slice %arg2[%dma_start3A_99, %dma_start3A_100] : memref<10240x128xf32, #tpu.memory_space<hbm>> -> memref<10240x128xf32, #tpu.memory_space<hbm>>
        tpu.enqueue_indirect_dma source(%dma_start3A_101 : memref<10240x128xf32, #tpu.memory_space<hbm>>) target(%arg10 : memref<128x128xf32, #tpu.memory_space<vmem>>) offsets(%dma_start3A_98 : memref<128xi32, #tpu.memory_space<vmem>>) semaphore(%arg13 : memref<!tpu.dma_semaphore, #tpu.memory_space<semaphore_mem>>)
        %mul3A_102 = arith.constant 80 : i32
        %mul3A_103 = arith.muli %add3A, %mul3A_102 : i32
        %add3A_104 = arith.addi %mul3A_103, %add3A_51 : i32
        %add3A_105 = arith.constant 2 : i32
        %add3A_106 = arith.addi %add3A_104, %add3A_105 : i32
        %mul3A_107 = arith.constant 128 : i32
        %mul3A_108 = arith.muli %add3A_106, %mul3A_107 : i32
        %dma_start3A_109 = tpu.memref_slice %arg4[%mul3A_108] : memref<327680xi32, #tpu.memory_space<hbm>> -> memref<128xi32, #tpu.memory_space<hbm>>
        %dma_start3A_110 = tpu.memref_slice %arg4[%mul3A_108] : memref<327680xi32, #tpu.memory_space<hbm>> -> memref<128xi32, #tpu.memory_space<hbm>>
        tpu.enqueue_dma source(%dma_start3A_110 : memref<128xi32, #tpu.memory_space<hbm>>) target(%arg8 : memref<128xi32, #tpu.memory_space<vmem>>) target_semaphore(%arg17 : memref<!tpu.dma_semaphore, #tpu.memory_space<semaphore_mem>>)
      } else {
      }
      %mul3A_68 = arith.constant 2 : i32
      %mul3A_69 = arith.muli %scan3A_47, %mul3A_68 : i32
      %add3A_70 = arith.constant 1 : i32
      %add3A_71 = arith.addi %mul3A_69, %add3A_70 : i32
      %dma_wait3A_72 = arith.constant 0 : i32
      %dma_wait3A_73 = tpu.memref_slice %arg7[%dma_wait3A_72] : memref<10240xi32, #tpu.memory_space<vmem>> -> memref<128xi32, #tpu.memory_space<vmem>>
      %dma_wait3A_74 = arith.constant 0 : i32
      %dma_wait3A_75 = arith.constant 0 : i32
      %dma_wait3A_76 = tpu.memref_slice %arg2[%dma_wait3A_74, %dma_wait3A_75] : memref<10240x128xf32, #tpu.memory_space<hbm>> -> memref<10240x128xf32, #tpu.memory_space<hbm>>
      tpu.wait_indirect_dma semaphore(%arg14 : memref<!tpu.dma_semaphore, #tpu.memory_space<semaphore_mem>>) src(%dma_wait3A_76 : memref<10240x128xf32, #tpu.memory_space<hbm>>) dst(%arg11 : memref<128x128xf32, #tpu.memory_space<vmem>>)
      %dma_wait3A_77 = arith.constant 0 : i32
      %dma_wait3A_78 = tpu.memref_slice %arg4[%dma_wait3A_77] : memref<327680xi32, #tpu.memory_space<hbm>> -> memref<128xi32, #tpu.memory_space<hbm>>
      %dma_wait3A_79 = arith.constant 0 : i32
      %dma_wait3A_80 = tpu.memref_slice %arg4[%dma_wait3A_79] : memref<327680xi32, #tpu.memory_space<hbm>> -> memref<128xi32, #tpu.memory_space<hbm>>
      tpu.wait_dma2 semaphore(%arg18 : memref<!tpu.dma_semaphore, #tpu.memory_space<semaphore_mem>>) src(%dma_wait3A_80 : memref<128xi32, #tpu.memory_space<hbm>>) dst(%arg9 : memref<128xi32, #tpu.memory_space<vmem>>)
      %dma_start3A_81 = arith.constant 0 : i32
      %dma_start3A_82 = arith.constant 0 : i32
      %dma_start3A_83 = tpu.memref_slice %arg12[%dma_start3A_81, %dma_start3A_82] : memref<10240x128xf32, #tpu.memory_space<vmem_shared>> -> memref<10240x128xf32, #tpu.memory_space<vmem_shared>>
      tpu.enqueue_indirect_dma source(%arg11 : memref<128x128xf32, #tpu.memory_space<vmem>>) target(%dma_start3A_83 : memref<10240x128xf32, #tpu.memory_space<vmem_shared>>) offsets(%arg9 : memref<128xi32, #tpu.memory_space<vmem>>) semaphore(%arg16 : memref<!tpu.dma_semaphore, #tpu.memory_space<semaphore_mem>>) {add = true}
      %add3A_84 = arith.constant 2 : i32
      %add3A_85 = arith.addi %add3A_71, %add3A_84 : i32
      %lt3A_86 = arith.constant 80 : i32
      %lt3A_87 = arith.cmpi slt, %add3A_85, %lt3A_86 : i32
      %convert_element_type3A_88 = arith.extui %lt3A_87 : i1 to i32
      %cond3A_89 = arith.constant 0 : i32
      %cond3A_90 = arith.cmpi ne, %convert_element_type3A_88, %cond3A_89 : i32
      scf.if %cond3A_90 {
        %dma_wait3A_91 = arith.constant 0 : i32
        %dma_wait3A_92 = arith.constant 0 : i32
        %dma_wait3A_93 = tpu.memref_slice %arg12[%dma_wait3A_91, %dma_wait3A_92] : memref<10240x128xf32, #tpu.memory_space<vmem_shared>> -> memref<10240x128xf32, #tpu.memory_space<vmem_shared>>
        tpu.wait_indirect_dma semaphore(%arg16 : memref<!tpu.dma_semaphore, #tpu.memory_space<semaphore_mem>>) src(%arg11 : memref<128x128xf32, #tpu.memory_space<vmem>>) dst(%dma_wait3A_93 : memref<10240x128xf32, #tpu.memory_space<vmem_shared>>)
        %add3A_94 = arith.constant 2 : i32
        %add3A_95 = arith.addi %add3A_71, %add3A_94 : i32
        %mul3A_96 = arith.constant 128 : i32
        %mul3A_97 = arith.muli %add3A_95, %mul3A_96 : i32
        %dma_start3A_98 = tpu.memref_slice %arg7[%mul3A_97] : memref<10240xi32, #tpu.memory_space<vmem>> -> memref<128xi32, #tpu.memory_space<vmem>>
        %dma_start3A_99 = arith.constant 0 : i32
        %dma_start3A_100 = arith.constant 0 : i32
        %dma_start3A_101 = tpu.memref_slice %arg2[%dma_start3A_99, %dma_start3A_100] : memref<10240x128xf32, #tpu.memory_space<hbm>> -> memref<10240x128xf32, #tpu.memory_space<hbm>>
        tpu.enqueue_indirect_dma source(%dma_start3A_101 : memref<10240x128xf32, #tpu.memory_space<hbm>>) target(%arg11 : memref<128x128xf32, #tpu.memory_space<vmem>>) offsets(%dma_start3A_98 : memref<128xi32, #tpu.memory_space<vmem>>) semaphore(%arg14 : memref<!tpu.dma_semaphore, #tpu.memory_space<semaphore_mem>>)
        %mul3A_102 = arith.constant 80 : i32
        %mul3A_103 = arith.muli %add3A, %mul3A_102 : i32
        %add3A_104 = arith.addi %mul3A_103, %add3A_71 : i32
        %add3A_105 = arith.constant 2 : i32
        %add3A_106 = arith.addi %add3A_104, %add3A_105 : i32
        %mul3A_107 = arith.constant 128 : i32
        %mul3A_108 = arith.muli %add3A_106, %mul3A_107 : i32
        %dma_start3A_109 = tpu.memref_slice %arg4[%mul3A_108] : memref<327680xi32, #tpu.memory_space<hbm>> -> memref<128xi32, #tpu.memory_space<hbm>>
        %dma_start3A_110 = tpu.memref_slice %arg4[%mul3A_108] : memref<327680xi32, #tpu.memory_space<hbm>> -> memref<128xi32, #tpu.memory_space<hbm>>
        tpu.enqueue_dma source(%dma_start3A_110 : memref<128xi32, #tpu.memory_space<hbm>>) target(%arg9 : memref<128xi32, #tpu.memory_space<vmem>>) target_semaphore(%arg18 : memref<!tpu.dma_semaphore, #tpu.memory_space<semaphore_mem>>)
      } else {
      }
    }
    %scan3A_36 = arith.constant 40 : i32
    %dma_wait3A = arith.constant 0 : i32
    %dma_wait3A_37 = arith.constant 0 : i32
    %dma_wait3A_38 = tpu.memref_slice %arg12[%dma_wait3A, %dma_wait3A_37] : memref<10240x128xf32, #tpu.memory_space<vmem_shared>> -> memref<10240x128xf32, #tpu.memory_space<vmem_shared>>
    tpu.wait_indirect_dma semaphore(%arg15 : memref<!tpu.dma_semaphore, #tpu.memory_space<semaphore_mem>>) src(%arg10 : memref<128x128xf32, #tpu.memory_space<vmem>>) dst(%dma_wait3A_38 : memref<10240x128xf32, #tpu.memory_space<vmem_shared>>)
    %dma_wait3A_39 = arith.constant 0 : i32
    %dma_wait3A_40 = arith.constant 0 : i32
    %dma_wait3A_41 = tpu.memref_slice %arg12[%dma_wait3A_39, %dma_wait3A_40] : memref<10240x128xf32, #tpu.memory_space<vmem_shared>> -> memref<10240x128xf32, #tpu.memory_space<vmem_shared>>
    tpu.wait_indirect_dma semaphore(%arg16 : memref<!tpu.dma_semaphore, #tpu.memory_space<semaphore_mem>>) src(%arg11 : memref<128x128xf32, #tpu.memory_space<vmem>>) dst(%dma_wait3A_41 : memref<10240x128xf32, #tpu.memory_space<vmem_shared>>)
    %barrier3A_42 = arith.constant 0 : index
    tpu.barrier barrier_id(%barrier3A_42)
    %mul3A_43 = arith.constant 640 : i32
    %mul3A_44 = arith.muli %arg1, %mul3A_43 : i32
    %mul3A_45 = arith.constant 640 : i32
    %mul3A_46 = arith.muli %arg1, %mul3A_45 : i32
    "tpu.region"() ({
      %run_scoped3A = tpu.sem_alloc : memref<!tpu.dma_semaphore, #tpu.memory_space<semaphore_mem>>
      %dma_start3A_47 = arith.constant 0 : i32
      %dma_start3A_48 = tpu.memref_slice %arg6[%arg0, %mul3A_46, %dma_start3A_47] : memref<2x10240x128xf32, #tpu.memory_space<hbm>> -> memref<1x640x128xf32, #tpu.memory_space<hbm>>
      %dma_start3A_49 = tpu.memref_squeeze %dma_start3A_48 : memref<1x640x128xf32, #tpu.memory_space<hbm>> -> memref<640x128xf32, #tpu.memory_space<hbm>>
      %dma_start3A_50 = arith.constant 0 : i32
      %dma_start3A_51 = tpu.memref_slice %arg12[%mul3A_44, %dma_start3A_50] : memref<10240x128xf32, #tpu.memory_space<vmem_shared>> -> memref<640x128xf32, #tpu.memory_space<vmem_shared>>
      tpu.enqueue_dma source(%dma_start3A_51 : memref<640x128xf32, #tpu.memory_space<vmem_shared>>) target(%dma_start3A_49 : memref<640x128xf32, #tpu.memory_space<hbm>>) target_semaphore(%run_scoped3A : memref<!tpu.dma_semaphore, #tpu.memory_space<semaphore_mem>>)
      %dma_wait3A_52 = arith.constant 0 : i32
      %dma_wait3A_53 = tpu.memref_slice %arg6[%arg0, %mul3A_46, %dma_wait3A_52] : memref<2x10240x128xf32, #tpu.memory_space<hbm>> -> memref<1x640x128xf32, #tpu.memory_space<hbm>>
      %dma_wait3A_54 = tpu.memref_squeeze %dma_wait3A_53 : memref<1x640x128xf32, #tpu.memory_space<hbm>> -> memref<640x128xf32, #tpu.memory_space<hbm>>
      %dma_wait3A_55 = arith.constant 0 : i32
      %dma_wait3A_56 = tpu.memref_slice %arg12[%mul3A_44, %dma_wait3A_55] : memref<10240x128xf32, #tpu.memory_space<vmem_shared>> -> memref<640x128xf32, #tpu.memory_space<vmem_shared>>
      tpu.wait_dma2 semaphore(%run_scoped3A : memref<!tpu.dma_semaphore, #tpu.memory_space<semaphore_mem>>) src(%dma_wait3A_56 : memref<640x128xf32, #tpu.memory_space<vmem_shared>>) dst(%dma_wait3A_54 : memref<640x128xf32, #tpu.memory_space<hbm>>)
      tpu.yield
    }) : () -> ()
    return
  }
}

#map = affine_map<(d0, d1) -> (0, 0)>
#map1 = affine_map<(d0, d1) -> (0)>
#map2 = affine_map<(d0, d1) -> (0, 0, 0)>
module attributes {stable_mosaic.version = 14 : i64} {
  func.func @_sc_count(%arg0: i32, %arg1: i32, %arg2: memref<128x128xf32, #tpu.memory_space<hbm>>, %arg3: memref<327680xi32, #tpu.memory_space<hbm>>, %arg4: memref<640x128xf32, #tpu.memory_space<hbm>>, %arg5: memref<2x10240x128xf32, #tpu.memory_space<hbm>>, %arg6: memref<128xi32, #tpu.memory_space<vmem>>, %arg7: memref<128xi32, #tpu.memory_space<vmem>>, %arg8: memref<128xi32, #tpu.memory_space<vmem>>, %arg9: memref<128xi32, #tpu.memory_space<vmem>>, %arg10: memref<128x128xf32, #tpu.memory_space<vmem>>, %arg11: memref<10240x128xf32, #tpu.memory_space<vmem_shared>>, %arg12: memref<!tpu.dma_semaphore, #tpu.memory_space<semaphore_mem>>, %arg13: memref<!tpu.dma_semaphore, #tpu.memory_space<semaphore_mem>>, %arg14: memref<!tpu.dma_semaphore, #tpu.memory_space<semaphore_mem>>, %arg15: memref<!tpu.dma_semaphore, #tpu.memory_space<semaphore_mem>>, %arg16: memref<!tpu.dma_semaphore, #tpu.memory_space<semaphore_mem>>, %arg17: memref<!tpu.dma_semaphore, #tpu.memory_space<semaphore_mem>>) attributes {dimension_semantics = [#tpu.dimension_semantics<core_parallel>, #tpu.dimension_semantics<subcore_parallel>], iteration_bounds = array<i64: 2, 16>, scalar_prefetch = 0 : i64, scratch_operands = 12 : i64, tpu.core_type = #tpu.core_type<sc_vector_subcore>, window_params = [{transform_indices = #map}, {transform_indices = #map1}, {transform_indices = #map}, {transform_indices = #map2}]} {
    %mul3A = arith.constant 16 : i32
    %mul3A_0 = arith.muli %arg0, %mul3A : i32
    %add3A = arith.addi %mul3A_0, %arg1 : i32
    "tpu.region"() ({
      %run_scoped3A = tpu.sem_alloc : memref<!tpu.dma_semaphore, #tpu.memory_space<semaphore_mem>>
      tpu.enqueue_dma source(%arg2 : memref<128x128xf32, #tpu.memory_space<hbm>>) target(%arg10 : memref<128x128xf32, #tpu.memory_space<vmem>>) target_semaphore(%run_scoped3A : memref<!tpu.dma_semaphore, #tpu.memory_space<semaphore_mem>>)
      tpu.wait_dma2 semaphore(%run_scoped3A : memref<!tpu.dma_semaphore, #tpu.memory_space<semaphore_mem>>) src(%arg2 : memref<128x128xf32, #tpu.memory_space<hbm>>) dst(%arg10 : memref<128x128xf32, #tpu.memory_space<vmem>>)
      tpu.yield
    }) : () -> ()
    %mul3A_1 = arith.constant 640 : i32
    %mul3A_2 = arith.muli %arg1, %mul3A_1 : i32
    "tpu.region"() ({
      %run_scoped3A = tpu.sem_alloc : memref<!tpu.dma_semaphore, #tpu.memory_space<semaphore_mem>>
      %dma_start3A_49 = arith.constant 0 : i32
      %dma_start3A_50 = tpu.memref_slice %arg11[%mul3A_2, %dma_start3A_49] : memref<10240x128xf32, #tpu.memory_space<vmem_shared>> -> memref<640x128xf32, #tpu.memory_space<vmem_shared>>
      tpu.enqueue_dma source(%arg4 : memref<640x128xf32, #tpu.memory_space<hbm>>) target(%dma_start3A_50 : memref<640x128xf32, #tpu.memory_space<vmem_shared>>) target_semaphore(%run_scoped3A : memref<!tpu.dma_semaphore, #tpu.memory_space<semaphore_mem>>)
      %dma_wait3A_51 = arith.constant 0 : i32
      %dma_wait3A_52 = tpu.memref_slice %arg11[%mul3A_2, %dma_wait3A_51] : memref<10240x128xf32, #tpu.memory_space<vmem_shared>> -> memref<640x128xf32, #tpu.memory_space<vmem_shared>>
      tpu.wait_dma2 semaphore(%run_scoped3A : memref<!tpu.dma_semaphore, #tpu.memory_space<semaphore_mem>>) src(%arg4 : memref<640x128xf32, #tpu.memory_space<hbm>>) dst(%dma_wait3A_52 : memref<640x128xf32, #tpu.memory_space<vmem_shared>>)
      tpu.yield
    }) : () -> ()
    %barrier3A = arith.constant 0 : index
    tpu.barrier barrier_id(%barrier3A)
    %mul3A_3 = arith.constant 80 : i32
    %mul3A_4 = arith.muli %add3A, %mul3A_3 : i32
    %add3A_5 = arith.constant 0 : i32
    %add3A_6 = arith.addi %mul3A_4, %add3A_5 : i32
    %mul3A_7 = arith.constant 128 : i32
    %mul3A_8 = arith.muli %add3A_6, %mul3A_7 : i32
    %dma_start3A = tpu.memref_slice %arg3[%mul3A_8] : memref<327680xi32, #tpu.memory_space<hbm>> -> memref<128xi32, #tpu.memory_space<hbm>>
    %dma_start3A_9 = tpu.memref_slice %arg3[%mul3A_8] : memref<327680xi32, #tpu.memory_space<hbm>> -> memref<128xi32, #tpu.memory_space<hbm>>
    tpu.enqueue_dma source(%dma_start3A_9 : memref<128xi32, #tpu.memory_space<hbm>>) target(%arg6 : memref<128xi32, #tpu.memory_space<vmem>>) target_semaphore(%arg14 : memref<!tpu.dma_semaphore, #tpu.memory_space<semaphore_mem>>)
    %mul3A_10 = arith.constant 80 : i32
    %mul3A_11 = arith.muli %add3A, %mul3A_10 : i32
    %add3A_12 = arith.constant 1 : i32
    %add3A_13 = arith.addi %mul3A_11, %add3A_12 : i32
    %mul3A_14 = arith.constant 128 : i32
    %mul3A_15 = arith.muli %add3A_13, %mul3A_14 : i32
    %dma_start3A_16 = tpu.memref_slice %arg3[%mul3A_15] : memref<327680xi32, #tpu.memory_space<hbm>> -> memref<128xi32, #tpu.memory_space<hbm>>
    %dma_start3A_17 = tpu.memref_slice %arg3[%mul3A_15] : memref<327680xi32, #tpu.memory_space<hbm>> -> memref<128xi32, #tpu.memory_space<hbm>>
    tpu.enqueue_dma source(%dma_start3A_17 : memref<128xi32, #tpu.memory_space<hbm>>) target(%arg7 : memref<128xi32, #tpu.memory_space<vmem>>) target_semaphore(%arg15 : memref<!tpu.dma_semaphore, #tpu.memory_space<semaphore_mem>>)
    %mul3A_18 = arith.constant 80 : i32
    %mul3A_19 = arith.muli %add3A, %mul3A_18 : i32
    %add3A_20 = arith.constant 2 : i32
    %add3A_21 = arith.addi %mul3A_19, %add3A_20 : i32
    %mul3A_22 = arith.constant 128 : i32
    %mul3A_23 = arith.muli %add3A_21, %mul3A_22 : i32
    %dma_start3A_24 = tpu.memref_slice %arg3[%mul3A_23] : memref<327680xi32, #tpu.memory_space<hbm>> -> memref<128xi32, #tpu.memory_space<hbm>>
    %dma_start3A_25 = tpu.memref_slice %arg3[%mul3A_23] : memref<327680xi32, #tpu.memory_space<hbm>> -> memref<128xi32, #tpu.memory_space<hbm>>
    tpu.enqueue_dma source(%dma_start3A_25 : memref<128xi32, #tpu.memory_space<hbm>>) target(%arg8 : memref<128xi32, #tpu.memory_space<vmem>>) target_semaphore(%arg16 : memref<!tpu.dma_semaphore, #tpu.memory_space<semaphore_mem>>)
    %mul3A_26 = arith.constant 80 : i32
    %mul3A_27 = arith.muli %add3A, %mul3A_26 : i32
    %add3A_28 = arith.constant 3 : i32
    %add3A_29 = arith.addi %mul3A_27, %add3A_28 : i32
    %mul3A_30 = arith.constant 128 : i32
    %mul3A_31 = arith.muli %add3A_29, %mul3A_30 : i32
    %dma_start3A_32 = tpu.memref_slice %arg3[%mul3A_31] : memref<327680xi32, #tpu.memory_space<hbm>> -> memref<128xi32, #tpu.memory_space<hbm>>
    %dma_start3A_33 = tpu.memref_slice %arg3[%mul3A_31] : memref<327680xi32, #tpu.memory_space<hbm>> -> memref<128xi32, #tpu.memory_space<hbm>>
    tpu.enqueue_dma source(%dma_start3A_33 : memref<128xi32, #tpu.memory_space<hbm>>) target(%arg9 : memref<128xi32, #tpu.memory_space<vmem>>) target_semaphore(%arg17 : memref<!tpu.dma_semaphore, #tpu.memory_space<semaphore_mem>>)
    %scan3A = arith.constant 0 : i32
    %scan3A_34 = arith.constant 0 : i32
    %scan3A_35 = arith.constant 20 : i32
    %scan3A_36 = arith.addi %scan3A_34, %scan3A_35 : i32
    %scan3A_37 = arith.constant 1 : i32
    scf.for %scan3A_49 = %scan3A_34 to %scan3A_36 step %scan3A_37  : i32 {
      %mul3A_50 = arith.constant 4 : i32
      %mul3A_51 = arith.muli %scan3A_49, %mul3A_50 : i32
      %add3A_52 = arith.constant 0 : i32
      %add3A_53 = arith.addi %mul3A_51, %add3A_52 : i32
      %dma_wait3A_54 = arith.constant 0 : i32
      %dma_wait3A_55 = tpu.memref_slice %arg3[%dma_wait3A_54] : memref<327680xi32, #tpu.memory_space<hbm>> -> memref<128xi32, #tpu.memory_space<hbm>>
      %dma_wait3A_56 = arith.constant 0 : i32
      %dma_wait3A_57 = tpu.memref_slice %arg3[%dma_wait3A_56] : memref<327680xi32, #tpu.memory_space<hbm>> -> memref<128xi32, #tpu.memory_space<hbm>>
      tpu.wait_dma2 semaphore(%arg14 : memref<!tpu.dma_semaphore, #tpu.memory_space<semaphore_mem>>) src(%dma_wait3A_57 : memref<128xi32, #tpu.memory_space<hbm>>) dst(%arg6 : memref<128xi32, #tpu.memory_space<vmem>>)
      %dma_start3A_58 = arith.constant 0 : i32
      %dma_start3A_59 = arith.constant 0 : i32
      %dma_start3A_60 = tpu.memref_slice %arg11[%dma_start3A_58, %dma_start3A_59] : memref<10240x128xf32, #tpu.memory_space<vmem_shared>> -> memref<10240x128xf32, #tpu.memory_space<vmem_shared>>
      tpu.enqueue_indirect_dma source(%arg10 : memref<128x128xf32, #tpu.memory_space<vmem>>) target(%dma_start3A_60 : memref<10240x128xf32, #tpu.memory_space<vmem_shared>>) offsets(%arg6 : memref<128xi32, #tpu.memory_space<vmem>>) semaphore(%arg12 : memref<!tpu.dma_semaphore, #tpu.memory_space<semaphore_mem>>) {add = true}
      %add3A_61 = arith.constant 2 : i32
      %add3A_62 = arith.addi %add3A_53, %add3A_61 : i32
      %lt3A = arith.constant 80 : i32
      %lt3A_63 = arith.cmpi slt, %add3A_62, %lt3A : i32
      %convert_element_type3A = arith.extui %lt3A_63 : i1 to i32
      %cond3A = arith.constant 0 : i32
      %cond3A_64 = arith.cmpi ne, %convert_element_type3A, %cond3A : i32
      scf.if %cond3A_64 {
        %dma_wait3A_119 = arith.constant 0 : i32
        %dma_wait3A_120 = arith.constant 0 : i32
        %dma_wait3A_121 = tpu.memref_slice %arg11[%dma_wait3A_119, %dma_wait3A_120] : memref<10240x128xf32, #tpu.memory_space<vmem_shared>> -> memref<10240x128xf32, #tpu.memory_space<vmem_shared>>
        tpu.wait_indirect_dma semaphore(%arg12 : memref<!tpu.dma_semaphore, #tpu.memory_space<semaphore_mem>>) src(%arg10 : memref<128x128xf32, #tpu.memory_space<vmem>>) dst(%dma_wait3A_121 : memref<10240x128xf32, #tpu.memory_space<vmem_shared>>)
        %add3A_122 = arith.constant 4 : i32
        %add3A_123 = arith.addi %add3A_53, %add3A_122 : i32
        %lt3A_124 = arith.constant 80 : i32
        %lt3A_125 = arith.cmpi slt, %add3A_123, %lt3A_124 : i32
        %convert_element_type3A_126 = arith.extui %lt3A_125 : i1 to i32
        %cond3A_127 = arith.constant 0 : i32
        %cond3A_128 = arith.cmpi ne, %convert_element_type3A_126, %cond3A_127 : i32
        scf.if %cond3A_128 {
          %mul3A_129 = arith.constant 80 : i32
          %mul3A_130 = arith.muli %add3A, %mul3A_129 : i32
          %add3A_131 = arith.addi %mul3A_130, %add3A_53 : i32
          %add3A_132 = arith.constant 4 : i32
          %add3A_133 = arith.addi %add3A_131, %add3A_132 : i32
          %mul3A_134 = arith.constant 128 : i32
          %mul3A_135 = arith.muli %add3A_133, %mul3A_134 : i32
          %dma_start3A_136 = tpu.memref_slice %arg3[%mul3A_135] : memref<327680xi32, #tpu.memory_space<hbm>> -> memref<128xi32, #tpu.memory_space<hbm>>
          %dma_start3A_137 = tpu.memref_slice %arg3[%mul3A_135] : memref<327680xi32, #tpu.memory_space<hbm>> -> memref<128xi32, #tpu.memory_space<hbm>>
          tpu.enqueue_dma source(%dma_start3A_137 : memref<128xi32, #tpu.memory_space<hbm>>) target(%arg6 : memref<128xi32, #tpu.memory_space<vmem>>) target_semaphore(%arg14 : memref<!tpu.dma_semaphore, #tpu.memory_space<semaphore_mem>>)
        } else {
        }
      } else {
      }
      %mul3A_65 = arith.constant 4 : i32
      %mul3A_66 = arith.muli %scan3A_49, %mul3A_65 : i32
      %add3A_67 = arith.constant 1 : i32
      %add3A_68 = arith.addi %mul3A_66, %add3A_67 : i32
      %dma_wait3A_69 = arith.constant 0 : i32
      %dma_wait3A_70 = tpu.memref_slice %arg3[%dma_wait3A_69] : memref<327680xi32, #tpu.memory_space<hbm>> -> memref<128xi32, #tpu.memory_space<hbm>>
      %dma_wait3A_71 = arith.constant 0 : i32
      %dma_wait3A_72 = tpu.memref_slice %arg3[%dma_wait3A_71] : memref<327680xi32, #tpu.memory_space<hbm>> -> memref<128xi32, #tpu.memory_space<hbm>>
      tpu.wait_dma2 semaphore(%arg15 : memref<!tpu.dma_semaphore, #tpu.memory_space<semaphore_mem>>) src(%dma_wait3A_72 : memref<128xi32, #tpu.memory_space<hbm>>) dst(%arg7 : memref<128xi32, #tpu.memory_space<vmem>>)
      %dma_start3A_73 = arith.constant 0 : i32
      %dma_start3A_74 = arith.constant 0 : i32
      %dma_start3A_75 = tpu.memref_slice %arg11[%dma_start3A_73, %dma_start3A_74] : memref<10240x128xf32, #tpu.memory_space<vmem_shared>> -> memref<10240x128xf32, #tpu.memory_space<vmem_shared>>
      tpu.enqueue_indirect_dma source(%arg10 : memref<128x128xf32, #tpu.memory_space<vmem>>) target(%dma_start3A_75 : memref<10240x128xf32, #tpu.memory_space<vmem_shared>>) offsets(%arg7 : memref<128xi32, #tpu.memory_space<vmem>>) semaphore(%arg13 : memref<!tpu.dma_semaphore, #tpu.memory_space<semaphore_mem>>) {add = true}
      %add3A_76 = arith.constant 2 : i32
      %add3A_77 = arith.addi %add3A_68, %add3A_76 : i32
      %lt3A_78 = arith.constant 80 : i32
      %lt3A_79 = arith.cmpi slt, %add3A_77, %lt3A_78 : i32
      %convert_element_type3A_80 = arith.extui %lt3A_79 : i1 to i32
      %cond3A_81 = arith.constant 0 : i32
      %cond3A_82 = arith.cmpi ne, %convert_element_type3A_80, %cond3A_81 : i32
      scf.if %cond3A_82 {
        %dma_wait3A_119 = arith.constant 0 : i32
        %dma_wait3A_120 = arith.constant 0 : i32
        %dma_wait3A_121 = tpu.memref_slice %arg11[%dma_wait3A_119, %dma_wait3A_120] : memref<10240x128xf32, #tpu.memory_space<vmem_shared>> -> memref<10240x128xf32, #tpu.memory_space<vmem_shared>>
        tpu.wait_indirect_dma semaphore(%arg13 : memref<!tpu.dma_semaphore, #tpu.memory_space<semaphore_mem>>) src(%arg10 : memref<128x128xf32, #tpu.memory_space<vmem>>) dst(%dma_wait3A_121 : memref<10240x128xf32, #tpu.memory_space<vmem_shared>>)
        %add3A_122 = arith.constant 4 : i32
        %add3A_123 = arith.addi %add3A_68, %add3A_122 : i32
        %lt3A_124 = arith.constant 80 : i32
        %lt3A_125 = arith.cmpi slt, %add3A_123, %lt3A_124 : i32
        %convert_element_type3A_126 = arith.extui %lt3A_125 : i1 to i32
        %cond3A_127 = arith.constant 0 : i32
        %cond3A_128 = arith.cmpi ne, %convert_element_type3A_126, %cond3A_127 : i32
        scf.if %cond3A_128 {
          %mul3A_129 = arith.constant 80 : i32
          %mul3A_130 = arith.muli %add3A, %mul3A_129 : i32
          %add3A_131 = arith.addi %mul3A_130, %add3A_68 : i32
          %add3A_132 = arith.constant 4 : i32
          %add3A_133 = arith.addi %add3A_131, %add3A_132 : i32
          %mul3A_134 = arith.constant 128 : i32
          %mul3A_135 = arith.muli %add3A_133, %mul3A_134 : i32
          %dma_start3A_136 = tpu.memref_slice %arg3[%mul3A_135] : memref<327680xi32, #tpu.memory_space<hbm>> -> memref<128xi32, #tpu.memory_space<hbm>>
          %dma_start3A_137 = tpu.memref_slice %arg3[%mul3A_135] : memref<327680xi32, #tpu.memory_space<hbm>> -> memref<128xi32, #tpu.memory_space<hbm>>
          tpu.enqueue_dma source(%dma_start3A_137 : memref<128xi32, #tpu.memory_space<hbm>>) target(%arg7 : memref<128xi32, #tpu.memory_space<vmem>>) target_semaphore(%arg15 : memref<!tpu.dma_semaphore, #tpu.memory_space<semaphore_mem>>)
        } else {
        }
      } else {
      }
      %mul3A_83 = arith.constant 4 : i32
      %mul3A_84 = arith.muli %scan3A_49, %mul3A_83 : i32
      %add3A_85 = arith.constant 2 : i32
      %add3A_86 = arith.addi %mul3A_84, %add3A_85 : i32
      %dma_wait3A_87 = arith.constant 0 : i32
      %dma_wait3A_88 = tpu.memref_slice %arg3[%dma_wait3A_87] : memref<327680xi32, #tpu.memory_space<hbm>> -> memref<128xi32, #tpu.memory_space<hbm>>
      %dma_wait3A_89 = arith.constant 0 : i32
      %dma_wait3A_90 = tpu.memref_slice %arg3[%dma_wait3A_89] : memref<327680xi32, #tpu.memory_space<hbm>> -> memref<128xi32, #tpu.memory_space<hbm>>
      tpu.wait_dma2 semaphore(%arg16 : memref<!tpu.dma_semaphore, #tpu.memory_space<semaphore_mem>>) src(%dma_wait3A_90 : memref<128xi32, #tpu.memory_space<hbm>>) dst(%arg8 : memref<128xi32, #tpu.memory_space<vmem>>)
      %dma_start3A_91 = arith.constant 0 : i32
      %dma_start3A_92 = arith.constant 0 : i32
      %dma_start3A_93 = tpu.memref_slice %arg11[%dma_start3A_91, %dma_start3A_92] : memref<10240x128xf32, #tpu.memory_space<vmem_shared>> -> memref<10240x128xf32, #tpu.memory_space<vmem_shared>>
      tpu.enqueue_indirect_dma source(%arg10 : memref<128x128xf32, #tpu.memory_space<vmem>>) target(%dma_start3A_93 : memref<10240x128xf32, #tpu.memory_space<vmem_shared>>) offsets(%arg8 : memref<128xi32, #tpu.memory_space<vmem>>) semaphore(%arg12 : memref<!tpu.dma_semaphore, #tpu.memory_space<semaphore_mem>>) {add = true}
      %add3A_94 = arith.constant 2 : i32
      %add3A_95 = arith.addi %add3A_86, %add3A_94 : i32
      %lt3A_96 = arith.constant 80 : i32
      %lt3A_97 = arith.cmpi slt, %add3A_95, %lt3A_96 : i32
      %convert_element_type3A_98 = arith.extui %lt3A_97 : i1 to i32
      %cond3A_99 = arith.constant 0 : i32
      %cond3A_100 = arith.cmpi ne, %convert_element_type3A_98, %cond3A_99 : i32
      scf.if %cond3A_100 {
        %dma_wait3A_119 = arith.constant 0 : i32
        %dma_wait3A_120 = arith.constant 0 : i32
        %dma_wait3A_121 = tpu.memref_slice %arg11[%dma_wait3A_119, %dma_wait3A_120] : memref<10240x128xf32, #tpu.memory_space<vmem_shared>> -> memref<10240x128xf32, #tpu.memory_space<vmem_shared>>
        tpu.wait_indirect_dma semaphore(%arg12 : memref<!tpu.dma_semaphore, #tpu.memory_space<semaphore_mem>>) src(%arg10 : memref<128x128xf32, #tpu.memory_space<vmem>>) dst(%dma_wait3A_121 : memref<10240x128xf32, #tpu.memory_space<vmem_shared>>)
        %add3A_122 = arith.constant 4 : i32
        %add3A_123 = arith.addi %add3A_86, %add3A_122 : i32
        %lt3A_124 = arith.constant 80 : i32
        %lt3A_125 = arith.cmpi slt, %add3A_123, %lt3A_124 : i32
        %convert_element_type3A_126 = arith.extui %lt3A_125 : i1 to i32
        %cond3A_127 = arith.constant 0 : i32
        %cond3A_128 = arith.cmpi ne, %convert_element_type3A_126, %cond3A_127 : i32
        scf.if %cond3A_128 {
          %mul3A_129 = arith.constant 80 : i32
          %mul3A_130 = arith.muli %add3A, %mul3A_129 : i32
          %add3A_131 = arith.addi %mul3A_130, %add3A_86 : i32
          %add3A_132 = arith.constant 4 : i32
          %add3A_133 = arith.addi %add3A_131, %add3A_132 : i32
          %mul3A_134 = arith.constant 128 : i32
          %mul3A_135 = arith.muli %add3A_133, %mul3A_134 : i32
          %dma_start3A_136 = tpu.memref_slice %arg3[%mul3A_135] : memref<327680xi32, #tpu.memory_space<hbm>> -> memref<128xi32, #tpu.memory_space<hbm>>
          %dma_start3A_137 = tpu.memref_slice %arg3[%mul3A_135] : memref<327680xi32, #tpu.memory_space<hbm>> -> memref<128xi32, #tpu.memory_space<hbm>>
          tpu.enqueue_dma source(%dma_start3A_137 : memref<128xi32, #tpu.memory_space<hbm>>) target(%arg8 : memref<128xi32, #tpu.memory_space<vmem>>) target_semaphore(%arg16 : memref<!tpu.dma_semaphore, #tpu.memory_space<semaphore_mem>>)
        } else {
        }
      } else {
      }
      %mul3A_101 = arith.constant 4 : i32
      %mul3A_102 = arith.muli %scan3A_49, %mul3A_101 : i32
      %add3A_103 = arith.constant 3 : i32
      %add3A_104 = arith.addi %mul3A_102, %add3A_103 : i32
      %dma_wait3A_105 = arith.constant 0 : i32
      %dma_wait3A_106 = tpu.memref_slice %arg3[%dma_wait3A_105] : memref<327680xi32, #tpu.memory_space<hbm>> -> memref<128xi32, #tpu.memory_space<hbm>>
      %dma_wait3A_107 = arith.constant 0 : i32
      %dma_wait3A_108 = tpu.memref_slice %arg3[%dma_wait3A_107] : memref<327680xi32, #tpu.memory_space<hbm>> -> memref<128xi32, #tpu.memory_space<hbm>>
      tpu.wait_dma2 semaphore(%arg17 : memref<!tpu.dma_semaphore, #tpu.memory_space<semaphore_mem>>) src(%dma_wait3A_108 : memref<128xi32, #tpu.memory_space<hbm>>) dst(%arg9 : memref<128xi32, #tpu.memory_space<vmem>>)
      %dma_start3A_109 = arith.constant 0 : i32
      %dma_start3A_110 = arith.constant 0 : i32
      %dma_start3A_111 = tpu.memref_slice %arg11[%dma_start3A_109, %dma_start3A_110] : memref<10240x128xf32, #tpu.memory_space<vmem_shared>> -> memref<10240x128xf32, #tpu.memory_space<vmem_shared>>
      tpu.enqueue_indirect_dma source(%arg10 : memref<128x128xf32, #tpu.memory_space<vmem>>) target(%dma_start3A_111 : memref<10240x128xf32, #tpu.memory_space<vmem_shared>>) offsets(%arg9 : memref<128xi32, #tpu.memory_space<vmem>>) semaphore(%arg13 : memref<!tpu.dma_semaphore, #tpu.memory_space<semaphore_mem>>) {add = true}
      %add3A_112 = arith.constant 2 : i32
      %add3A_113 = arith.addi %add3A_104, %add3A_112 : i32
      %lt3A_114 = arith.constant 80 : i32
      %lt3A_115 = arith.cmpi slt, %add3A_113, %lt3A_114 : i32
      %convert_element_type3A_116 = arith.extui %lt3A_115 : i1 to i32
      %cond3A_117 = arith.constant 0 : i32
      %cond3A_118 = arith.cmpi ne, %convert_element_type3A_116, %cond3A_117 : i32
      scf.if %cond3A_118 {
        %dma_wait3A_119 = arith.constant 0 : i32
        %dma_wait3A_120 = arith.constant 0 : i32
        %dma_wait3A_121 = tpu.memref_slice %arg11[%dma_wait3A_119, %dma_wait3A_120] : memref<10240x128xf32, #tpu.memory_space<vmem_shared>> -> memref<10240x128xf32, #tpu.memory_space<vmem_shared>>
        tpu.wait_indirect_dma semaphore(%arg13 : memref<!tpu.dma_semaphore, #tpu.memory_space<semaphore_mem>>) src(%arg10 : memref<128x128xf32, #tpu.memory_space<vmem>>) dst(%dma_wait3A_121 : memref<10240x128xf32, #tpu.memory_space<vmem_shared>>)
        %add3A_122 = arith.constant 4 : i32
        %add3A_123 = arith.addi %add3A_104, %add3A_122 : i32
        %lt3A_124 = arith.constant 80 : i32
        %lt3A_125 = arith.cmpi slt, %add3A_123, %lt3A_124 : i32
        %convert_element_type3A_126 = arith.extui %lt3A_125 : i1 to i32
        %cond3A_127 = arith.constant 0 : i32
        %cond3A_128 = arith.cmpi ne, %convert_element_type3A_126, %cond3A_127 : i32
        scf.if %cond3A_128 {
          %mul3A_129 = arith.constant 80 : i32
          %mul3A_130 = arith.muli %add3A, %mul3A_129 : i32
          %add3A_131 = arith.addi %mul3A_130, %add3A_104 : i32
          %add3A_132 = arith.constant 4 : i32
          %add3A_133 = arith.addi %add3A_131, %add3A_132 : i32
          %mul3A_134 = arith.constant 128 : i32
          %mul3A_135 = arith.muli %add3A_133, %mul3A_134 : i32
          %dma_start3A_136 = tpu.memref_slice %arg3[%mul3A_135] : memref<327680xi32, #tpu.memory_space<hbm>> -> memref<128xi32, #tpu.memory_space<hbm>>
          %dma_start3A_137 = tpu.memref_slice %arg3[%mul3A_135] : memref<327680xi32, #tpu.memory_space<hbm>> -> memref<128xi32, #tpu.memory_space<hbm>>
          tpu.enqueue_dma source(%dma_start3A_137 : memref<128xi32, #tpu.memory_space<hbm>>) target(%arg9 : memref<128xi32, #tpu.memory_space<vmem>>) target_semaphore(%arg17 : memref<!tpu.dma_semaphore, #tpu.memory_space<semaphore_mem>>)
        } else {
        }
      } else {
      }
    }
    %scan3A_38 = arith.constant 20 : i32
    %dma_wait3A = arith.constant 0 : i32
    %dma_wait3A_39 = arith.constant 0 : i32
    %dma_wait3A_40 = tpu.memref_slice %arg11[%dma_wait3A, %dma_wait3A_39] : memref<10240x128xf32, #tpu.memory_space<vmem_shared>> -> memref<10240x128xf32, #tpu.memory_space<vmem_shared>>
    tpu.wait_indirect_dma semaphore(%arg12 : memref<!tpu.dma_semaphore, #tpu.memory_space<semaphore_mem>>) src(%arg10 : memref<128x128xf32, #tpu.memory_space<vmem>>) dst(%dma_wait3A_40 : memref<10240x128xf32, #tpu.memory_space<vmem_shared>>)
    %dma_wait3A_41 = arith.constant 0 : i32
    %dma_wait3A_42 = arith.constant 0 : i32
    %dma_wait3A_43 = tpu.memref_slice %arg11[%dma_wait3A_41, %dma_wait3A_42] : memref<10240x128xf32, #tpu.memory_space<vmem_shared>> -> memref<10240x128xf32, #tpu.memory_space<vmem_shared>>
    tpu.wait_indirect_dma semaphore(%arg13 : memref<!tpu.dma_semaphore, #tpu.memory_space<semaphore_mem>>) src(%arg10 : memref<128x128xf32, #tpu.memory_space<vmem>>) dst(%dma_wait3A_43 : memref<10240x128xf32, #tpu.memory_space<vmem_shared>>)
    %barrier3A_44 = arith.constant 0 : index
    tpu.barrier barrier_id(%barrier3A_44)
    %mul3A_45 = arith.constant 640 : i32
    %mul3A_46 = arith.muli %arg1, %mul3A_45 : i32
    %mul3A_47 = arith.constant 640 : i32
    %mul3A_48 = arith.muli %arg1, %mul3A_47 : i32
    "tpu.region"() ({
      %run_scoped3A = tpu.sem_alloc : memref<!tpu.dma_semaphore, #tpu.memory_space<semaphore_mem>>
      %dma_start3A_49 = arith.constant 0 : i32
      %dma_start3A_50 = tpu.memref_slice %arg5[%arg0, %mul3A_48, %dma_start3A_49] : memref<2x10240x128xf32, #tpu.memory_space<hbm>> -> memref<1x640x128xf32, #tpu.memory_space<hbm>>
      %dma_start3A_51 = tpu.memref_squeeze %dma_start3A_50 : memref<1x640x128xf32, #tpu.memory_space<hbm>> -> memref<640x128xf32, #tpu.memory_space<hbm>>
      %dma_start3A_52 = arith.constant 0 : i32
      %dma_start3A_53 = tpu.memref_slice %arg11[%mul3A_46, %dma_start3A_52] : memref<10240x128xf32, #tpu.memory_space<vmem_shared>> -> memref<640x128xf32, #tpu.memory_space<vmem_shared>>
      tpu.enqueue_dma source(%dma_start3A_53 : memref<640x128xf32, #tpu.memory_space<vmem_shared>>) target(%dma_start3A_51 : memref<640x128xf32, #tpu.memory_space<hbm>>) target_semaphore(%run_scoped3A : memref<!tpu.dma_semaphore, #tpu.memory_space<semaphore_mem>>)
      %dma_wait3A_54 = arith.constant 0 : i32
      %dma_wait3A_55 = tpu.memref_slice %arg5[%arg0, %mul3A_48, %dma_wait3A_54] : memref<2x10240x128xf32, #tpu.memory_space<hbm>> -> memref<1x640x128xf32, #tpu.memory_space<hbm>>
      %dma_wait3A_56 = tpu.memref_squeeze %dma_wait3A_55 : memref<1x640x128xf32, #tpu.memory_space<hbm>> -> memref<640x128xf32, #tpu.memory_space<hbm>>
      %dma_wait3A_57 = arith.constant 0 : i32
      %dma_wait3A_58 = tpu.memref_slice %arg11[%mul3A_46, %dma_wait3A_57] : memref<10240x128xf32, #tpu.memory_space<vmem_shared>> -> memref<640x128xf32, #tpu.memory_space<vmem_shared>>
      tpu.wait_dma2 semaphore(%run_scoped3A : memref<!tpu.dma_semaphore, #tpu.memory_space<semaphore_mem>>) src(%dma_wait3A_58 : memref<640x128xf32, #tpu.memory_space<vmem_shared>>) dst(%dma_wait3A_56 : memref<640x128xf32, #tpu.memory_space<hbm>>)
      tpu.yield
    }) : () -> ()
    return
  }
}

module attributes {stable_mosaic.version = 14 : i64} {
  func.func @_tc_pre_body(%arg0: i32, %arg1: memref<1024x128xf32, #tpu.memory_space<vmem>>, %arg2: memref<2x1024x128xf32, #tpu.memory_space<vmem>>, %arg3: memref<1024x128xf32, #tpu.memory_space<vmem>>) attributes {dimension_semantics = [#tpu.dimension_semantics<arbitrary>], iteration_bounds = array<i64: 10>, scalar_prefetch = 0 : i64, scratch_operands = 0 : i64, tpu.core_type = #tpu.core_type<tc>, window_params = [{transform_indices = @transform_0, window_bounds = array<i64: 1024, 128>}, {transform_indices = @transform_1, window_bounds = array<i64: 2, 1024, 128>}, {transform_indices = @transform_2, window_bounds = array<i64: 1024, 128>}]} {
    %get3A = arith.constant 0 : index
    %get3A_0 = arith.constant 0 : index
    %get3A_1 = arith.constant 0 : index
    %get3A_2 = vector.load %arg2[%get3A, %get3A_0, %get3A_1] : memref<2x1024x128xf32, #tpu.memory_space<vmem>>, vector<2x1024x128xf32>
    %slice3A = vector.extract_strided_slice %get3A_2 {offsets = [0, 0, 0], sizes = [1, 1024, 1], strides = [1, 1, 1]} : vector<2x1024x128xf32> to vector<1x1024x1xf32>
    %squeeze3A = vector.shape_cast %slice3A : vector<1x1024x1xf32> to vector<1024x1xf32>
    %add3A = arith.constant 1.000000e+00 : f32
    %add3A_3 = vector.broadcast %add3A : f32 to vector<1024x1xf32>
    %add3A_4 = arith.addf %add3A_3, %squeeze3A : vector<1024x1xf32>
    %slice3A_5 = vector.extract_strided_slice %get3A_2 {offsets = [1, 0, 0], sizes = [1, 1024, 1], strides = [1, 1, 1]} : vector<2x1024x128xf32> to vector<1x1024x1xf32>
    %squeeze3A_6 = vector.shape_cast %slice3A_5 : vector<1x1024x1xf32> to vector<1024x1xf32>
    %add3A_7 = arith.addf %add3A_4, %squeeze3A_6 : vector<1024x1xf32>
    %rsqrt3A = math.rsqrt %add3A_7 : vector<1024x1xf32>
    %get3A_8 = arith.constant 0 : index
    %get3A_9 = arith.constant 0 : index
    %get3A_10 = vector.load %arg1[%get3A_8, %get3A_9] : memref<1024x128xf32, #tpu.memory_space<vmem>>, vector<1024x128xf32>
    %mul3A = vector.broadcast %rsqrt3A : vector<1024x1xf32> to vector<1024x128xf32>
    %mul3A_11 = arith.mulf %get3A_10, %mul3A : vector<1024x128xf32>
    %swap3A = arith.constant 0 : index
    %swap3A_12 = arith.constant 0 : index
    %swap3A_13 = vector.load %arg3[%swap3A, %swap3A_12] : memref<1024x128xf32, #tpu.memory_space<vmem>>, vector<1024x128xf32>
    tpu.vector_store %arg3[%swap3A, %swap3A_12], %mul3A_11 {strides = array<i32>} : memref<1024x128xf32, #tpu.memory_space<vmem>>, vector<1024x128xf32>,
    return
  }
  func.func @transform_0(%arg0: i32) -> (i32, i32) {
    %c0_i32 = arith.constant 0 : i32
    %c0_i32_0 = arith.constant 0 : i32
    return %arg0, %c0_i32 : i32, i32
  }
  func.func @transform_1(%arg0: i32) -> (i32, i32, i32) {
    %c0_i32 = arith.constant 0 : i32
    %c0_i32_0 = arith.constant 0 : i32
    %c0_i32_1 = arith.constant 0 : i32
    return %c0_i32, %arg0, %c0_i32_0 : i32, i32, i32
  }
  func.func @transform_2(%arg0: i32) -> (i32, i32) {
    %c0_i32 = arith.constant 0 : i32
    %c0_i32_0 = arith.constant 0 : i32
    return %arg0, %c0_i32 : i32, i32
  }
}

module attributes {stable_mosaic.version = 14 : i64} {
  func.func @_tc_mid_body(%arg0: i32, %arg1: memref<2x1024x128xf32, #tpu.memory_space<vmem>>, %arg2: memref<1024x128xf32, #tpu.memory_space<vmem>>, %arg3: memref<2x1024x128xf32, #tpu.memory_space<vmem>>, %arg4: memref<128x256xf32, #tpu.memory_space<vmem>>, %arg5: memref<1x256xf32, #tpu.memory_space<vmem>>, %arg6: memref<256x128xf32, #tpu.memory_space<vmem>>, %arg7: memref<1024x128xf32, #tpu.memory_space<vmem>>, %arg8: memref<1024x128xf32, #tpu.memory_space<vmem>>) attributes {dimension_semantics = [#tpu.dimension_semantics<arbitrary>], iteration_bounds = array<i64: 10>, scalar_prefetch = 0 : i64, scratch_operands = 0 : i64, tpu.core_type = #tpu.core_type<tc>, window_params = [{transform_indices = @transform_0, window_bounds = array<i64: 2, 1024, 128>}, {transform_indices = @transform_1, window_bounds = array<i64: 1024, 128>}, {transform_indices = @transform_2, window_bounds = array<i64: 2, 1024, 128>}, {pipeline_mode = #tpu.pipeline_mode<synchronous>, transform_indices = @transform_3, window_bounds = array<i64: 128, 256>}, {pipeline_mode = #tpu.pipeline_mode<synchronous>, transform_indices = @transform_4, window_bounds = array<i64: 1, 256>}, {pipeline_mode = #tpu.pipeline_mode<synchronous>, transform_indices = @transform_5, window_bounds = array<i64: 256, 128>}, {transform_indices = @transform_6, window_bounds = array<i64: 1024, 128>}, {transform_indices = @transform_7, window_bounds = array<i64: 1024, 128>}]} {
    %get3A = arith.constant 0 : index
    %get3A_0 = arith.constant 0 : index
    %get3A_1 = arith.constant 0 : index
    %get3A_2 = vector.load %arg3[%get3A, %get3A_0, %get3A_1] : memref<2x1024x128xf32, #tpu.memory_space<vmem>>, vector<2x1024x128xf32>
    %slice3A = vector.extract_strided_slice %get3A_2 {offsets = [0, 0, 0], sizes = [1, 1024, 1], strides = [1, 1, 1]} : vector<2x1024x128xf32> to vector<1x1024x1xf32>
    %squeeze3A = vector.shape_cast %slice3A : vector<1x1024x1xf32> to vector<1024x1xf32>
    %add3A = arith.constant 1.000000e+00 : f32
    %add3A_3 = vector.broadcast %add3A : f32 to vector<1024x1xf32>
    %add3A_4 = arith.addf %add3A_3, %squeeze3A : vector<1024x1xf32>
    %slice3A_5 = vector.extract_strided_slice %get3A_2 {offsets = [1, 0, 0], sizes = [1, 1024, 1], strides = [1, 1, 1]} : vector<2x1024x128xf32> to vector<1x1024x1xf32>
    %squeeze3A_6 = vector.shape_cast %slice3A_5 : vector<1x1024x1xf32> to vector<1024x1xf32>
    %add3A_7 = arith.addf %add3A_4, %squeeze3A_6 : vector<1024x1xf32>
    %rsqrt3A = math.rsqrt %add3A_7 : vector<1024x1xf32>
    %get3A_8 = arith.constant 0 : index
    %get3A_9 = arith.constant 0 : index
    %get3A_10 = arith.constant 0 : index
    %get3A_11 = vector.load %arg1[%get3A_8, %get3A_9, %get3A_10] : memref<2x1024x128xf32, #tpu.memory_space<vmem>>, vector<1x1024x128xf32>
    %get3A_12 = vector.shape_cast %get3A_11 : vector<1x1024x128xf32> to vector<1024x128xf32>
    %get3A_13 = arith.constant 1 : index
    %get3A_14 = arith.constant 0 : index
    %get3A_15 = arith.constant 0 : index
    %get3A_16 = vector.load %arg1[%get3A_13, %get3A_14, %get3A_15] : memref<2x1024x128xf32, #tpu.memory_space<vmem>>, vector<1x1024x128xf32>
    %get3A_17 = vector.shape_cast %get3A_16 : vector<1x1024x128xf32> to vector<1024x128xf32>
    %add3A_18 = arith.addf %get3A_12, %get3A_17 : vector<1024x128xf32>
    %mul3A = vector.broadcast %rsqrt3A : vector<1024x1xf32> to vector<1024x128xf32>
    %mul3A_19 = arith.mulf %mul3A, %add3A_18 : vector<1024x128xf32>
    %mul3A_20 = arith.mulf %rsqrt3A, %rsqrt3A : vector<1024x1xf32>
    %get3A_21 = arith.constant 0 : index
    %get3A_22 = arith.constant 0 : index
    %get3A_23 = vector.load %arg2[%get3A_21, %get3A_22] : memref<1024x128xf32, #tpu.memory_space<vmem>>, vector<1024x128xf32>
    %mul3A_24 = vector.broadcast %mul3A_20 : vector<1024x1xf32> to vector<1024x128xf32>
    %mul3A_25 = arith.mulf %mul3A_24, %get3A_23 : vector<1024x128xf32>
    %add3A_26 = arith.addf %mul3A_19, %mul3A_25 : vector<1024x128xf32>
    %get3A_27 = arith.constant 0 : index
    %get3A_28 = arith.constant 0 : index
    %get3A_29 = vector.load %arg4[%get3A_27, %get3A_28] : memref<128x256xf32, #tpu.memory_space<vmem>>, vector<128x256xf32>
    %dot_general3A = arith.constant dense<0.000000e+00> : vector<1024x256xf32>
    %dot_general3A_30 = tpu.matmul %add3A_26, %get3A_29, %dot_general3A {dimension_numbers = #tpu.dot_dimension_numbers<[1], [0], [0], [1], [0, 0, 1, 1], [], []>, transpose_lhs_hint = false} : vector<1024x128xf32>, vector<128x256xf32>, vector<1024x256xf32> -> vector<1024x256xf32>
    %get3A_31 = arith.constant 0 : index
    %get3A_32 = arith.constant 0 : index
    %get3A_33 = vector.load %arg5[%get3A_31, %get3A_32] : memref<1x256xf32, #tpu.memory_space<vmem>>, vector<1x256xf32>
    %add3A_34 = vector.broadcast %get3A_33 : vector<1x256xf32> to vector<1024x256xf32>
    %add3A_35 = arith.addf %dot_general3A_30, %add3A_34 : vector<1024x256xf32>
    %max3A = arith.constant 0.000000e+00 : f32
    %max3A_36 = vector.broadcast %max3A : f32 to vector<1024x256xf32>
    %max3A_37 = arith.maximumf %add3A_35, %max3A_36 : vector<1024x256xf32>
    %get3A_38 = arith.constant 0 : index
    %get3A_39 = arith.constant 0 : index
    %get3A_40 = vector.load %arg6[%get3A_38, %get3A_39] : memref<256x128xf32, #tpu.memory_space<vmem>>, vector<256x128xf32>
    %dot_general3A_41 = arith.constant dense<0.000000e+00> : vector<1024x128xf32>
    %dot_general3A_42 = tpu.matmul %max3A_37, %get3A_40, %dot_general3A_41 {dimension_numbers = #tpu.dot_dimension_numbers<[1], [0], [0], [1], [0, 0, 1, 1], [], []>, transpose_lhs_hint = false} : vector<1024x256xf32>, vector<256x128xf32>, vector<1024x128xf32> -> vector<1024x128xf32>
    %swap3A = arith.constant 0 : index
    %swap3A_43 = arith.constant 0 : index
    %swap3A_44 = vector.load %arg7[%swap3A, %swap3A_43] : memref<1024x128xf32, #tpu.memory_space<vmem>>, vector<1024x128xf32>
    tpu.vector_store %arg7[%swap3A, %swap3A_43], %dot_general3A_42 {strides = array<i32>} : memref<1024x128xf32, #tpu.memory_space<vmem>>, vector<1024x128xf32>,
    %mul3A_45 = vector.broadcast %rsqrt3A : vector<1024x1xf32> to vector<1024x128xf32>
    %mul3A_46 = arith.mulf %dot_general3A_42, %mul3A_45 : vector<1024x128xf32>
    %swap3A_47 = arith.constant 0 : index
    %swap3A_48 = arith.constant 0 : index
    %swap3A_49 = vector.load %arg8[%swap3A_47, %swap3A_48] : memref<1024x128xf32, #tpu.memory_space<vmem>>, vector<1024x128xf32>
    tpu.vector_store %arg8[%swap3A_47, %swap3A_48], %mul3A_46 {strides = array<i32>} : memref<1024x128xf32, #tpu.memory_space<vmem>>, vector<1024x128xf32>,
    return
  }
  func.func @transform_0(%arg0: i32) -> (i32, i32, i32) {
    %c0_i32 = arith.constant 0 : i32
    %c0_i32_0 = arith.constant 0 : i32
    %c0_i32_1 = arith.constant 0 : i32
    return %c0_i32, %arg0, %c0_i32_0 : i32, i32, i32
  }
  func.func @transform_1(%arg0: i32) -> (i32, i32) {
    %c0_i32 = arith.constant 0 : i32
    %c0_i32_0 = arith.constant 0 : i32
    return %arg0, %c0_i32 : i32, i32
  }
  func.func @transform_2(%arg0: i32) -> (i32, i32, i32) {
    %c0_i32 = arith.constant 0 : i32
    %c0_i32_0 = arith.constant 0 : i32
    %c0_i32_1 = arith.constant 0 : i32
    return %c0_i32, %arg0, %c0_i32_0 : i32, i32, i32
  }
  func.func @transform_3(%arg0: i32) -> (i32, i32) {
    %c0_i32 = arith.constant 0 : i32
    %c0_i32_0 = arith.constant 0 : i32
    %c0_i32_1 = arith.constant 0 : i32
    return %c0_i32, %c0_i32_0 : i32, i32
  }
  func.func @transform_4(%arg0: i32) -> (i32, i32) {
    %c0_i32 = arith.constant 0 : i32
    %c0_i32_0 = arith.constant 0 : i32
    %c0_i32_1 = arith.constant 0 : i32
    return %c0_i32, %c0_i32_0 : i32, i32
  }
  func.func @transform_5(%arg0: i32) -> (i32, i32) {
    %c0_i32 = arith.constant 0 : i32
    %c0_i32_0 = arith.constant 0 : i32
    %c0_i32_1 = arith.constant 0 : i32
    return %c0_i32, %c0_i32_0 : i32, i32
  }
  func.func @transform_6(%arg0: i32) -> (i32, i32) {
    %c0_i32 = arith.constant 0 : i32
    %c0_i32_0 = arith.constant 0 : i32
    return %arg0, %c0_i32 : i32, i32
  }
  func.func @transform_7(%arg0: i32) -> (i32, i32) {
    %c0_i32 = arith.constant 0 : i32
    %c0_i32_0 = arith.constant 0 : i32
    return %arg0, %c0_i32 : i32, i32
  }
}

module attributes {stable_mosaic.version = 14 : i64} {
  func.func @_tc_post_body(%arg0: i32, %arg1: memref<2x1024x128xf32, #tpu.memory_space<vmem>>, %arg2: memref<1024x128xf32, #tpu.memory_space<vmem>>, %arg3: memref<2x1024x128xf32, #tpu.memory_space<vmem>>, %arg4: memref<1x128xf32, #tpu.memory_space<vmem>>, %arg5: memref<1024x128xf32, #tpu.memory_space<vmem>>) attributes {dimension_semantics = [#tpu.dimension_semantics<arbitrary>], iteration_bounds = array<i64: 10>, scalar_prefetch = 0 : i64, scratch_operands = 0 : i64, tpu.core_type = #tpu.core_type<tc>, window_params = [{transform_indices = @transform_0, window_bounds = array<i64: 2, 1024, 128>}, {transform_indices = @transform_1, window_bounds = array<i64: 1024, 128>}, {transform_indices = @transform_2, window_bounds = array<i64: 2, 1024, 128>}, {pipeline_mode = #tpu.pipeline_mode<synchronous>, transform_indices = @transform_3, window_bounds = array<i64: 1, 128>}, {transform_indices = @transform_4, window_bounds = array<i64: 1024, 128>}]} {
    %get3A = arith.constant 0 : index
    %get3A_0 = arith.constant 0 : index
    %get3A_1 = arith.constant 0 : index
    %get3A_2 = vector.load %arg3[%get3A, %get3A_0, %get3A_1] : memref<2x1024x128xf32, #tpu.memory_space<vmem>>, vector<2x1024x128xf32>
    %slice3A = vector.extract_strided_slice %get3A_2 {offsets = [0, 0, 0], sizes = [1, 1024, 1], strides = [1, 1, 1]} : vector<2x1024x128xf32> to vector<1x1024x1xf32>
    %squeeze3A = vector.shape_cast %slice3A : vector<1x1024x1xf32> to vector<1024x1xf32>
    %add3A = arith.constant 1.000000e+00 : f32
    %add3A_3 = vector.broadcast %add3A : f32 to vector<1024x1xf32>
    %add3A_4 = arith.addf %add3A_3, %squeeze3A : vector<1024x1xf32>
    %slice3A_5 = vector.extract_strided_slice %get3A_2 {offsets = [1, 0, 0], sizes = [1, 1024, 1], strides = [1, 1, 1]} : vector<2x1024x128xf32> to vector<1x1024x1xf32>
    %squeeze3A_6 = vector.shape_cast %slice3A_5 : vector<1x1024x1xf32> to vector<1024x1xf32>
    %add3A_7 = arith.addf %add3A_4, %squeeze3A_6 : vector<1024x1xf32>
    %rsqrt3A = math.rsqrt %add3A_7 : vector<1024x1xf32>
    %get3A_8 = arith.constant 0 : index
    %get3A_9 = arith.constant 0 : index
    %get3A_10 = arith.constant 0 : index
    %get3A_11 = vector.load %arg1[%get3A_8, %get3A_9, %get3A_10] : memref<2x1024x128xf32, #tpu.memory_space<vmem>>, vector<1x1024x128xf32>
    %get3A_12 = vector.shape_cast %get3A_11 : vector<1x1024x128xf32> to vector<1024x128xf32>
    %get3A_13 = arith.constant 1 : index
    %get3A_14 = arith.constant 0 : index
    %get3A_15 = arith.constant 0 : index
    %get3A_16 = vector.load %arg1[%get3A_13, %get3A_14, %get3A_15] : memref<2x1024x128xf32, #tpu.memory_space<vmem>>, vector<1x1024x128xf32>
    %get3A_17 = vector.shape_cast %get3A_16 : vector<1x1024x128xf32> to vector<1024x128xf32>
    %add3A_18 = arith.addf %get3A_12, %get3A_17 : vector<1024x128xf32>
    %mul3A = vector.broadcast %rsqrt3A : vector<1024x1xf32> to vector<1024x128xf32>
    %mul3A_19 = arith.mulf %mul3A, %add3A_18 : vector<1024x128xf32>
    %mul3A_20 = arith.mulf %rsqrt3A, %rsqrt3A : vector<1024x1xf32>
    %get3A_21 = arith.constant 0 : index
    %get3A_22 = arith.constant 0 : index
    %get3A_23 = vector.load %arg2[%get3A_21, %get3A_22] : memref<1024x128xf32, #tpu.memory_space<vmem>>, vector<1024x128xf32>
    %mul3A_24 = vector.broadcast %mul3A_20 : vector<1024x1xf32> to vector<1024x128xf32>
    %mul3A_25 = arith.mulf %mul3A_24, %get3A_23 : vector<1024x128xf32>
    %add3A_26 = arith.addf %mul3A_19, %mul3A_25 : vector<1024x128xf32>
    %get3A_27 = arith.constant 0 : index
    %get3A_28 = arith.constant 0 : index
    %get3A_29 = vector.load %arg4[%get3A_27, %get3A_28] : memref<1x128xf32, #tpu.memory_space<vmem>>, vector<1x128xf32>
    %add3A_30 = vector.broadcast %get3A_29 : vector<1x128xf32> to vector<1024x128xf32>
    %add3A_31 = arith.addf %add3A_26, %add3A_30 : vector<1024x128xf32>
    %swap3A = arith.constant 0 : index
    %swap3A_32 = arith.constant 0 : index
    %swap3A_33 = vector.load %arg5[%swap3A, %swap3A_32] : memref<1024x128xf32, #tpu.memory_space<vmem>>, vector<1024x128xf32>
    tpu.vector_store %arg5[%swap3A, %swap3A_32], %add3A_31 {strides = array<i32>} : memref<1024x128xf32, #tpu.memory_space<vmem>>, vector<1024x128xf32>,
    return
  }
  func.func @transform_0(%arg0: i32) -> (i32, i32, i32) {
    %c0_i32 = arith.constant 0 : i32
    %c0_i32_0 = arith.constant 0 : i32
    %c0_i32_1 = arith.constant 0 : i32
    return %c0_i32, %arg0, %c0_i32_0 : i32, i32, i32
  }
  func.func @transform_1(%arg0: i32) -> (i32, i32) {
    %c0_i32 = arith.constant 0 : i32
    %c0_i32_0 = arith.constant 0 : i32
    return %arg0, %c0_i32 : i32, i32
  }
  func.func @transform_2(%arg0: i32) -> (i32, i32, i32) {
    %c0_i32 = arith.constant 0 : i32
    %c0_i32_0 = arith.constant 0 : i32
    %c0_i32_1 = arith.constant 0 : i32
    return %c0_i32, %arg0, %c0_i32_0 : i32, i32, i32
  }
  func.func @transform_3(%arg0: i32) -> (i32, i32) {
    %c0_i32 = arith.constant 0 : i32
    %c0_i32_0 = arith.constant 0 : i32
    %c0_i32_1 = arith.constant 0 : i32
    return %c0_i32, %c0_i32_0 : i32, i32
  }
  func.func @transform_4(%arg0: i32) -> (i32, i32) {
    %c0_i32 = arith.constant 0 : i32
    %c0_i32_0 = arith.constant 0 : i32
    return %arg0, %c0_i32 : i32, i32
  }
}

</mosaic_0001>

<sc_bundles>
// kernel: kernel.11.cloned.1.call-start
scs
__scs_entry_jumppad:
0x0: {  	(pc) =	sbr.rel $0x88, $3  }
0x1: {  	(tag) =	ssettag $0x0;
	lr =	simm.s32 $0x1  }
0x2: {  	[smem:$0x3F9B] =	sst lr;
	_ =	strace $0xD0000000  }
0x3: {  	_ = 	snop  }
0x4: {  	_ = 	snop  }
0x5: {  	_ = 	snop  }
0x6: {  	_ = 	snop  }
0x7: {  	_ = 	snop  }
__scs_overlays_trampoline_lowered:
0x8: {  	[smem:$0x3FAA] =	sst s0  }
0x9: {  	[smem:$0x3FAB] =	sst s1  }
0xa: {  	[smem:$0x3FAC] =	sst s2  }
0xb: {  	[smem:$0x3FAD] =	sst s3  }
0xc: {  	[smem:$0x3FAE] =	sst s4  }
0xd: {  	[smem:$0x3FAF] =	sst s5  }
0xe: {  	[smem:$0x3FB0] =	sst s6  }
0xf: {  	[smem:$0x3FB1] =	sst s7  }
0x10: {  	[smem:$0x3FB2] =	sst s8  }
0x11: {  	[smem:$0x3FB3] =	sst s9;
	s0 =	simm.s32 @!p0 $0x0  }
0x12: {  	s1 =	sld [smem:$0x3F99];
	s0 =	simm.s32 @p0 $0x1  }
0x13: {  	[smem:$0x3FB4] =	sst s0;
	s0 =	simm.s32 @!p1 $0x0  }
0x14: {  	s2 =	sld [smem:$0x3F98];
	s0 =	simm.s32 @p1 $0x1  }
0x15: {  	[smem:$0x3FB5] =	sst s0;
	s0 =	simm.s32 @!p2 $0x0  }
0x16: {  	s3 =	sld [smem:$0x3FDB];
	s0 =	simm.s32 @p2 $0x1  }
0x17: {  	s4 =	simm.s32 $0x1BF5;
	[smem:$0x3FB7] =	sst s0  }
0x18: {  	s0 =	sld [smem:$0x3F9A];
	_ =	swait.ge [sflag:s4], $0x0  }
0x19: {  	s7 =	sld [smem:$0x3F9B]  }
0x1a: {  	s8 =	sadd.s32 $0xFFFFE003, lr  }
0x1b: {  	s9 =	sadd.s32 $0xFFFFFEF7, lr;
	s5 =	simm.s32 $0xFFFFFFFF;
	p2 =	slt.u32 s8, $0xFFFFF086  }
0x1c: {  	p1 =	slt.u32 s9, $0xF7A;
	s5 =	simm.s32 @!p2 $0x0  }
0x1d: {  	s5 =	simm.s32 @p1 $0x1;
	p0 =	seq.s32 s7, s2  }
0x1e: {  	s7 =	smul.u32 @!p0 $0xF7A, s2;
	p2 =	seq.s32 @!p0 s5, $0x0  }
0x1f: {  	s9 =	smul.u32 $0xF7A, s1;
	s8 =	simm.s32 @!p0 $0x1BF5;
	p2 =	por !p2, p0  }
0x20: {  	[sflag:s8] =	ssyncset.s32 @!p0 $0xFFFFF086;
	s6 =	sadd.s32 @!p0 s3, s7;
	s7 =	simm.s32 @!p0 $0x108  }
0x21: {  	s3 =	sadd.s32 s3, s9;
	s6 =	sadd.s32 @!p0 $0x88, s6;
	s7 =	simm.s32 @p2 $0x1082  }
0x22: {  	[simem:s7], [sflag:s8] =	dma.local @!p0 [hbm:s6], $0xF7A  }
0x23: {  	s9 =	sor.u32 $0xD0000000, s2;
	s6 =	simm.s32 $0x108;
	_ =	swait.ge @!p0 [sflag:s8], $0x0  }
0x24: {  	s3 =	sadd.s32 $0x88, s3;
	s6 =	simm.s32 @!p1 $0x1082;
	[sflag:s4] =	ssyncset.s32 $0xFFFFF086  }
0x25: {  	[simem:s6], [sflag:s4] =	dma.local [hbm:s3], $0xF7A  }
0x26: {  	[smem:$0x3F9B] =	sst s1;
	(tag) =	ssettag s2;
	_ =	strace s9  }
0x27: {  	s1 =	sld [smem:$0x3FAB]  }
0x28: {  	s2 =	sld [smem:$0x3FAC]  }
0x29: {  	s4 =	sld [smem:$0x3FAE]  }
0x2a: {  	p0 =	seq.s32 s5, $0x0;
	s5 =	sld [smem:$0x3FAF]  }
0x2b: {  	s6 =	sld [smem:$0x3FB0]  }
0x2c: {  	s7 =	sld [smem:$0x3FB1]  }
0x2d: {  	s3 =	simm.s32 $0x108;
	s8 =	sld [smem:$0x3FB2]  }
0x2e: {  	s3 =	simm.s32 @!p0 $0x1082;
	s9 =	sld [smem:$0x3FB3]  }
0x2f: {  	lr =	sadd.s32 s0, s3;
	s0 =	sld [smem:$0x3FAA]  }
0x30: {  	s3 =	sld [smem:$0x3FAD]  }
0x31: {  	[smem:$0x3FB6] =	sst s10  }
0x32: {  	s10 =	sld [smem:$0x3FB4];
	_ =	sdelay $0x3  }
0x33: {  	p0 =	seq.s32 s10, $0x1;
	s10 =	sld [smem:$0x3FB6];
	_ =	sdelay $0x3  }
0x34: {  	[smem:$0x3FB6] =	sst s10  }
0x35: {  	s10 =	sld [smem:$0x3FB5];
	_ =	sdelay $0x3  }
0x36: {  	p1 =	seq.s32 s10, $0x1;
	s10 =	sld [smem:$0x3FB6];
	_ =	sdelay $0x3  }
0x37: {  	[smem:$0x3FB6] =	sst s10  }
0x38: {  	s10 =	sld [smem:$0x3FB7]  }
0x39: {  	_ = 	snop;
	(pc) =	sbr.ind lr, $3  }
0x3a: {  	_ = 	snop  }
0x3b: {  	_ = 	snop  }
0x3c: {  	p2 =	seq.s32 s10, $0x1;
	s10 =	sld [smem:$0x3FB6]  }
0x3d: {  	_ =	shalt  }
0x3e: {  	_ =	shalt  }
0x3f: {  	_ =	shalt  }
0x40: {  	_ =	shalt  }
0x41: {  	_ =	shalt  }
0x42: {  	_ =	shalt  }
0x43: {  	_ =	shalt  }
0x44: {  	_ =	shalt  }
0x45: {  	_ =	shalt  }
0x46: {  	_ =	shalt  }
0x47: {  	_ =	shalt  }
0x48: {  	_ =	shalt  }
0x49: {  	_ =	shalt  }
0x4a: {  	_ =	shalt  }
0x4b: {  	_ =	shalt  }
0x4c: {  	_ =	shalt  }
0x4d: {  	_ =	shalt  }
0x4e: {  	_ =	shalt  }
0x4f: {  	_ =	shalt  }
0x50: {  	_ =	shalt  }
0x51: {  	_ =	shalt  }
0x52: {  	_ =	shalt  }
0x53: {  	_ =	shalt  }
0x54: {  	_ =	shalt  }
0x55: {  	_ =	shalt  }
0x56: {  	_ =	shalt  }
0x57: {  	_ =	shalt  }
0x58: {  	_ =	shalt  }
0x59: {  	_ =	shalt  }
0x5a: {  	_ =	shalt  }
0x5b: {  	_ =	shalt  }
0x5c: {  	_ =	shalt  }
0x5d: {  	_ =	shalt  }
0x5e: {  	_ =	shalt  }
0x5f: {  	_ =	shalt  }
0x60: {  	_ =	shalt  }
0x61: {  	_ =	shalt  }
0x62: {  	_ =	shalt  }
0x63: {  	_ =	shalt  }
0x64: {  	_ =	shalt  }
0x65: {  	_ =	shalt  }
0x66: {  	_ =	shalt  }
0x67: {  	_ =	shalt  }
0x68: {  	_ =	shalt  }
0x69: {  	_ =	shalt  }
0x6a: {  	_ =	shalt  }
0x6b: {  	_ =	shalt  }
0x6c: {  	_ =	shalt  }
0x6d: {  	_ =	shalt  }
0x6e: {  	_ =	shalt  }
0x6f: {  	_ =	shalt  }
0x70: {  	_ =	shalt  }
0x71: {  	_ =	shalt  }
0x72: {  	_ =	shalt  }
0x73: {  	_ =	shalt  }
0x74: {  	_ =	shalt  }
0x75: {  	_ =	shalt  }
0x76: {  	_ =	shalt  }
0x77: {  	_ =	shalt  }
0x78: {  	_ =	shalt  }
0x79: {  	_ =	shalt  }
0x7a: {  	_ =	shalt  }
0x7b: {  	_ =	shalt  }
0x7c: {  	_ =	shalt  }
0x7d: {  	_ =	shalt  }
0x7e: {  	_ =	shalt  }
0x7f: {  	_ =	shalt  }
0x80: {  	_ =	shalt  }
0x81: {  	_ =	shalt  }
0x82: {  	_ =	shalt  }
0x83: {  	_ =	shalt  }
0x84: {  	_ =	shalt  }
0x85: {  	_ =	shalt  }
0x86: {  	_ =	shalt  }
0x87: {  	_ =	shalt  }
.Lfunc_end0:
.L_simem_size_0:
called_computation.1_lowered:
.L_overlay_start_0:
0x88: {  	s2 =	sld [smem:$0x3FD9]  }
0x89: {  	s3 =	sld [smem:$0x3FFE];
	_ =	sdelay $0x1  }
0x8a: {  	s1 =	srdreg.scid  }
0x8b: {  	s0 =	sand.u32 $0x1, s1  }
0x8c: {  	s17 =	sshll.u32 s0, $0xA;
	s2 =	sadd.s32 s3, s2  }
0x8d: {  	s2 =	sadd.s32 s2, s17  }
0x8e: {  	[smem:$0x3FC2] =	sst s2  }
0x8f: {  	_ = 	snop  }
0x90: {  	s2 =	sld [smem:$0x3FD0];
	(tm) =	ssettm $0x1  }
0x91: {  	s18 =	sld [smem:$0x3FFB];
	_ =	sdelay $0x3  }
0x92: {  	_ =	strace s18  }
0x93: {  	s3 =	sld [smem:$0x3FFC];
	_ =	sdelay $0x3  }
0x94: {  	_ =	strace s3  }
0x95: {  	s3 =	sld [smem:$0x3FFD];
	_ =	sdelay $0x3  }
0x96: {  	_ =	strace s3  }
0x97: {  	_ =	strace $0x8FFFFFFF  }
0x98: {  	s19 =	sld [smem:$0x3FDB];
	_ =	sdelay $0x1  }
0x99: {  	s4 =	simm.s32 $_scs_section_size  }
0x9a: {  	s5 =	simm.s32 $_size__tile_overlayer_lowered;
	s6 =	simm.s32 $_tile_overlayer_lowered  }
0x9b: {  	s22 =	simm.s32 $0x1BFF;
	s21 =	sshll.u32 s6, $0x1;
	s3 =	sadd.s32 s4, s19  }
0x9c: {  	s7 =	simm.s32 $0x0;
	s20 =	sshll.u32 s5, $0x1;
	s5 =	sadd.s32 s21, s3  }
0x9d: {  	[timem:s7], [sflag:s22] =	dma.local [hbm:s5], s20  }
0x9e: {  	_ =	swait.ge [sflag:s22], s20  }
0x9f: {  	s4 =	ssub.s32 $0x0, s20;
	[sflag:s22] =	ssyncset.done $0x0  }
0xa0: {  	[sflag:s22] =	ssyncadd.s32 s4;
	_ =	sdelay $0x1  }
0xa1: {  	s23 =	simm.s32 $0x1B8B  }
0xa2: {  	_ =	swait.ge [sflag:s23], $0x1  }
0xa3: {  	[sflag:s23] =	ssyncset.done $0x0  }
0xa4: {  	s25 =	simm.s32 $0x1B8E;
	s24 =	sld [smem:$0x3FFE];
	[sflag:s23] =	ssyncadd.s32 $0xFFFFFFFF  }
0xa5: {  	s26 =	simm.s32 $execute0_lowered;
	[smem:$0x3FD2] =	sst s25  }
0xa6: {  	s5 =	sshll.u32 s26, $0x1;
	_ =	strace $0x80000049;
	[dreg:$0x1] =	wrdreg $0xFFFFFFFF  }
0xa7: {  	s28 =	simm.s32 $_size_execute0_lowered;
	s3 =	sadd.s32 s3, s5;
	[dreg:$0x0] =	wrdreg $0x0  }
0xa8: {  	s5 =	sshll.u32 s28, $0x1;
	[dreg:$0x2] =	wrdreg s3  }
0xa9: {  	[dreg:$0x3] =	wrdreg s5  }
0xaa: {  	[dreg:$0x4] =	wrdreg $0xC0  }
0xab: {  	_ =	task [dreg:s7], $0x5FFFF  }
0xac: {  	[dreg:$0x1] =	wrdreg $0xFFFFFFFF  }
0xad: {  	[dreg:$0x0] =	wrdreg $0x60  }
0xae: {  	[dreg:$0x2] =	wrdreg s24  }
0xaf: {  	[dreg:$0x3] =	wrdreg s2  }
0xb0: {  	[dreg:$0x4] =	wrdreg $0xA9000  }
0xb1: {  	[dreg:$0x5] =	wrdreg $0x9  }
0xb2: {  	_ =	task.clear_ibuf [dreg:s7], $0x6FFFF;
	_ =	strace $0x90000049  }
0xb3: {  	s29 =	simm.s32 $0x9;
	_ =	strace $0x8000004B  }
0xb4: {  	_ =	swait.ge [sflag:s29], $0x1  }
0xb5: {  	[sflag:s29] =	ssyncadd.s32 $0xFFFFFFFF  }
0xb6: {  	_ =	strace $0x9000004B  }
0xb7: {  	_ =	sfence  }
0xb8: {  	s30 =	sld [smem:$0x0];
	_ =	sdelay $0x2  }
0xb9: {  	s31 =	sshll.u32 s1, $0xD;
	s1 =	sshrl.u32 s1, $0x2  }
0xba: {  	s3 =	sand.u32 $0x4000, s31;
	s1 =	sadd.s32 s1, s30  }
0xbb: {  	s0 =	sor.u32 s3, s0;
	s1 =	sshll.u32 s1, $0x11  }
0xbc: {  	s0 =	sor.u32 s1, s0  }
0xbd: {  	s0 =	sadd.s32 $0x8F2B, s0  }
0xbe: {  	[sflag:s0] =	ssyncadd.remote.s32 $0x1  }
0xbf: {  	_ =	sfence.sel $0xFFFF  }
0xc0: {  	[dreg:$0x0] =	wrdreg $0xFFFFFFFF;
	(pc) =	sbr.abs _section_cstart, $3  }
0xc1: {  	[dreg:$0x1] =	wrdreg $0xFFFFFFFF  }
0xc2: {  	_ =	task.clear_ibuf [dreg:s7], $0x2FFFF;
	_ =	strace $0x9FFFFFFF  }
0xc3: {  	(tm) =	ssettm $0x7FFFFFFF  }
tec
execute0_lowered:
.L_overlay_start_1:
0x0: {  	(tag) =	ssettag $0x1  }
0x1: {  	s6 =	rddreg [dreg:$0x0]  }
0x2: {  	s7 =	rddreg [dreg:$0x1]  }
0x3: {  	s1 =	rddreg [dreg:$0x2]  }
0x4: {  	s0 =	rddreg [dreg:$0x3]  }
0x5: {  	s3 =	simm.s32 $0x0;
	s2 =	srdreg.scid;
	s17 =	simm.s32 $0x2900  }
0x6: {  	s18 =	simm.s32 $0x2880;
	s19 =	simm.s32 $0x6900;
	s20 =	simm.s32 $0x1  }
0x7: {  	s21 =	simm.s32 $0x5;
	s22 =	simm.s32 $0x3;
	s23 =	simm.s32 $0x2  }
0x8: {  	s24 =	simm.s32 $0x6;
	s25 =	simm.s32 $0x4;
	s8 =	sand.u32 $0x1, s2  }
0x9: {  	s26 =	simm.s32 $0x0;
	s2 =	stileid.u32;
	s5 =	smul.u32 $0x140000, s8  }
0xa: {  	[smem:$0x7FF] =	sst s3;
	s4 =	sadd.s32 $0x5F000, s6;
	s9 =	smul.u32 $0x14000, s2  }
0xb: {  	s11 =	sadd.s32 $0x2000, s6;
	_ =	strace $0x8000004A;
	s14 =	smul.u32 $0x50000, s2  }
0xc: {  	s10 =	sshll.u32 s8, $0x4;
	s28 =	ssub.s32 $0x2, s8;
	s30 =	smul.u32 $0x5000, s8  }
0xd: {  	s16 =	smul.u32 $0x500, s2;
	s31 =	sshll.u32 s2, $0x6;
	s10 =	sor.u32 s2, s10  }
0xe: {  	s13 =	sshrl.u32 s28, $0x1;
	s5 =	sadd.s32 s9, s5;
	s10 =	smul.u32 $0x500, s10  }
0xf: {  	s13 =	ssub.s32 s28, s13;
	s29 =	sshrl.u32 s14, $0x2;
	s12 =	sshrl.u32 s5, $0x3  }
0x10: {  	s5 =	sadd.s32 $0xC800, s6;
	s15 =	sadd.s32 s29, s1;
	s12 =	sadd.s32 s12, s6  }
0x11: {  	s6 =	sadd.s32 s7, s10;
	s7 =	sadd.s32 s11, s10;
	s11 =	sadd.s32 s30, s11  }
0x12: {  	s10 =	smax.u32 s13, $0x1;
	s13 =	sor.u32 $0x1C07, s31;
	s14 =	sshrl.u32 s15, $0x3  }
0x13: {  	s15 =	simm.s32 $0x2800;
	s8 =	sadd.s32 $0x10, s7;
	s9 =	sadd.s32 $0x87000, s12  }
0x14: {  	s11 =	sadd.s32 s16, s11;
	s12 =	simm.s32 $0x7;
	s16 =	simm.s32 $0x80  }
.LBB2_1:
0x15: {  	[tilespmem:s3], [sflag:$0x7] =	stream.linear.gather [hbm4b:s6+s3], $0x2800, $0x38;
	[tilespmem:$0x1E900] =	vst v63  }
0x16: {  	_ =	swait.ge [sflag:s12], $0x2800  }
0x17: {  	[sflag:s12] =	ssyncset.done $0x0  }
0x18: {  	[sflag:s12] =	ssyncadd.s32 $0xFFFFD800  }
0x19: {  	[spmem:s14], [sflag:s13] =	dma.local [hbm:s5], $0x2800  }
0x1a: {  	_ =	swait.ge [sflag:s12], $0x2800  }
0x1b: {  	[sflag:s12] =	ssyncset.done $0x0  }
0x1c: {  	[sflag:s12] =	ssyncadd.s32 $0xFFFFD800  }
0x1d: {  	[bflag:$0x0] =	sbarrier.arrive $0xFFFF  }
0x1e: {  	[tilespmem:s15], [sflag:$0x5] =	stream.linear.gather [hbm4b:s7+s3], $0x80, $0x38;
	[tilespmem:$0x1E900] =	vst v63  }
0x1f: {  	_ = 	snop  }
0x20: {  	[tilespmem:s17], [sflag:$0x1] =	stream.indirect.gather [hbm4b:s4+s16], $0x80, s3, s16, $0xb8;
	[tilespmem:$0x1E900] =	vst v63  }
0x21: {  	_ = 	snop  }
0x22: {  	[tilespmem:s18], [sflag:$0x6] =	stream.linear.gather [hbm4b:s8+s3], $0x80, $0x38;
	[tilespmem:$0x1E900] =	vst v63  }
0x23: {  	_ = 	snop  }
0x24: {  	[tilespmem:s19], [sflag:$0x2] =	stream.indirect.gather [hbm4b:s4+s16], $0x80, s16, s16, $0xb8;
	[tilespmem:$0x1E900] =	vst v63  }
0x25: {  	_ =	swait.ge [sflag:s20], $0x4000  }
0x26: {  	[sflag:s20] =	ssyncset.done $0x0  }
0x27: {  	[sflag:s20] =	ssyncadd.s32 $0xFFFFC000  }
0x28: {  	_ =	swait.ge [sflag:s21], $0x80  }
0x29: {  	[sflag:s21] =	ssyncset.done $0x0  }
0x2a: {  	[sflag:s21] =	ssyncadd.s32 $0xFFFFFF80  }
0x2b: {  	[spmem:s1] =	stream.indirect.scatter.add.f32 [tilespmem:s17], [sflag:$0x3], $0x80, s15, s16, $0xb8;
	[tilespmem:$0x1E900] =	vst v63  }
0x2c: {  	_ =	swait.ge [sflag:s22], $0x4000  }
0x2d: {  	[sflag:s22] =	ssyncset.done $0x0  }
0x2e: {  	s28 =	simm.s32 $0x100;
	s29 =	sadd.s32 $0x0, s11;
	[sflag:s22] =	ssyncadd.s32 $0xFFFFC000  }
0x2f: {  	[tilespmem:s17], [sflag:$0x1] =	stream.indirect.gather [hbm4b:s4+s16], $0x80, s28, s16, $0xb8;
	[tilespmem:$0x1E900] =	vst v63  }
0x30: {  	s28 =	sadd.s32 $0x20, s29  }
0x31: {  	[tilespmem:s15], [sflag:$0x5] =	stream.linear.gather [hbm4b:s28+s3], $0x80, $0x38;
	[tilespmem:$0x1E900] =	vst v63  }
0x32: {  	_ =	swait.ge [sflag:s23], $0x4000  }
0x33: {  	[sflag:s23] =	ssyncset.done $0x0  }
0x34: {  	[sflag:s23] =	ssyncadd.s32 $0xFFFFC000  }
0x35: {  	_ =	swait.ge [sflag:s24], $0x80  }
0x36: {  	[sflag:s24] =	ssyncset.done $0x0  }
0x37: {  	[sflag:s24] =	ssyncadd.s32 $0xFFFFFF80  }
0x38: {  	[spmem:s1] =	stream.indirect.scatter.add.f32 [tilespmem:s19], [sflag:$0x4], $0x80, s18, s16, $0xb8;
	[tilespmem:$0x1E900] =	vst v63  }
0x39: {  	_ =	swait.ge [sflag:s25], $0x4000  }
0x3a: {  	[sflag:s25] =	ssyncset.done $0x0  }
0x3b: {  	s28 =	simm.s32 $0x180;
	[sflag:s25] =	ssyncadd.s32 $0xFFFFC000  }
0x3c: {  	[tilespmem:s19], [sflag:$0x2] =	stream.indirect.gather [hbm4b:s4+s16], $0x80, s28, s16, $0xb8;
	[tilespmem:$0x1E900] =	vst v63  }
0x3d: {  	s30 =	sadd.s32 $0x30, s29;
	s29 =	simm.s32 $0x280;
	s28 =	simm.s32 $0x20  }
.LBB2_2:
0x3e: {  	[tilespmem:s18], [sflag:$0x6] =	stream.linear.gather [hbm4b:s30+s3], $0x80, $0x38;
	[tilespmem:$0x1E900] =	vst v63  }
0x3f: {  	s30 =	smov.u32 s28  }
0x40: {  	p0 =	sne.s32 s28, $0x4C0;
	s28 =	sadd.s32 $0x20, s28;
	_ =	swait.ge [sflag:s20], $0x4000  }
0x41: {  	[sflag:s20] =	ssyncset.done $0x0  }
0x42: {  	[sflag:s20] =	ssyncadd.s32 $0xFFFFC000  }
0x43: {  	_ =	swait.ge [sflag:s21], $0x80  }
0x44: {  	[sflag:s21] =	ssyncset.done $0x0  }
0x45: {  	[sflag:s21] =	ssyncadd.s32 $0xFFFFFF80  }
0x46: {  	[spmem:s1] =	stream.indirect.scatter.add.f32 [tilespmem:s17], [sflag:$0x3], $0x80, s15, s16, $0xb8;
	[tilespmem:$0x1E900] =	vst v63  }
0x47: {  	_ =	swait.ge [sflag:s22], $0x4000  }
0x48: {  	[sflag:s22] =	ssyncset.done $0x0  }
0x49: {  	s31 =	sadd.s32 $0xFFFFFF80, s29;
	s30 =	sadd.s32 s30, s11;
	[sflag:s22] =	ssyncadd.s32 $0xFFFFC000  }
0x4a: {  	[tilespmem:s17], [sflag:$0x1] =	stream.indirect.gather [hbm4b:s4+s16], $0x80, s31, s16, $0xb8;
	[tilespmem:$0x1E900] =	vst v63  }
0x4b: {  	s31 =	sadd.s32 $0x20, s30  }
0x4c: {  	[tilespmem:s15], [sflag:$0x5] =	stream.linear.gather [hbm4b:s31+s3], $0x80, $0x38;
	[tilespmem:$0x1E900] =	vst v63  }
0x4d: {  	_ =	swait.ge [sflag:s23], $0x4000  }
0x4e: {  	[sflag:s23] =	ssyncset.done $0x0  }
0x4f: {  	[sflag:s23] =	ssyncadd.s32 $0xFFFFC000  }
0x50: {  	_ =	swait.ge [sflag:s24], $0x80  }
0x51: {  	[sflag:s24] =	ssyncset.done $0x0  }
0x52: {  	[sflag:s24] =	ssyncadd.s32 $0xFFFFFF80  }
0x53: {  	[spmem:s1] =	stream.indirect.scatter.add.f32 [tilespmem:s19], [sflag:$0x4], $0x80, s18, s16, $0xb8;
	[tilespmem:$0x1E900] =	vst v63  }
.Ltmp0:
0x54: {  	_ =	swait.ge [sflag:s25], $0x4000;
	(pc) =	sbr.rel @p0 .LBB2_2-.Ltmp0, $4  }
0x55: {  	[sflag:s25] =	ssyncset.done $0x0  }
0x56: {  	[sflag:s25] =	ssyncadd.s32 $0xFFFFC000  }
0x57: {  	[tilespmem:s19], [sflag:$0x2] =	stream.indirect.gather [hbm4b:s4+s16], $0x80, s29, s16, $0xb8;
	[tilespmem:$0x1E900] =	vst v63  }
0x58: {  	s30 =	sadd.s32 $0x30, s30;
	s29 =	sadd.s32 $0x100, s29  }
0x59: {  	[tilespmem:s18], [sflag:$0x6] =	stream.linear.gather [hbm4b:s30+s3], $0x80, $0x38;
	[tilespmem:$0x1E900] =	vst v63  }
0x5a: {  	_ =	swait.ge [sflag:s20], $0x4000  }
0x5b: {  	[sflag:s20] =	ssyncset.done $0x0  }
0x5c: {  	[sflag:s20] =	ssyncadd.s32 $0xFFFFC000  }
0x5d: {  	_ =	swait.ge [sflag:s21], $0x80  }
0x5e: {  	[sflag:s21] =	ssyncset.done $0x0  }
0x5f: {  	[sflag:s21] =	ssyncadd.s32 $0xFFFFFF80  }
0x60: {  	[spmem:s1] =	stream.indirect.scatter.add.f32 [tilespmem:s17], [sflag:$0x3], $0x80, s15, s16, $0xb8;
	[tilespmem:$0x1E900] =	vst v63  }
0x61: {  	_ =	swait.ge [sflag:s23], $0x4000  }
0x62: {  	[sflag:s23] =	ssyncset.done $0x0  }
0x63: {  	[sflag:s23] =	ssyncadd.s32 $0xFFFFC000  }
0x64: {  	_ =	swait.ge [sflag:s24], $0x80  }
0x65: {  	[sflag:s24] =	ssyncset.done $0x0  }
0x66: {  	[sflag:s24] =	ssyncadd.s32 $0xFFFFFF80  }
0x67: {  	[spmem:s1] =	stream.indirect.scatter.add.f32 [tilespmem:s19], [sflag:$0x4], $0x80, s18, s16, $0xb8;
	[tilespmem:$0x1E900] =	vst v63  }
0x68: {  	_ =	swait.ge [sflag:s22], $0x4000  }
0x69: {  	[sflag:s22] =	ssyncset.done $0x0  }
0x6a: {  	[sflag:s22] =	ssyncadd.s32 $0xFFFFC000  }
0x6b: {  	_ =	swait.ge [sflag:s25], $0x4000  }
0x6c: {  	s26 =	sadd.s32 $0x1, s26;
	[sflag:s25] =	ssyncset.done $0x0  }
0x6d: {  	p0 =	sne.s32 s26, s10;
	[sflag:s25] =	ssyncadd.s32 $0xFFFFC000  }
.Ltmp1:
0x6e: {  	[bflag:$0x0] =	sbarrier.arrive $0xFFFF;
	(pc) =	sbr.rel @p0 .LBB2_1-.Ltmp1, $4  }
0x6f: {  	[hbm:s9], [sflag:s13] =	dma.local [spmem:s14], $0x2800  }
0x70: {  	_ =	swait.ge [sflag:s12], $0x2800  }
0x71: {  	[sflag:s12] =	ssyncset.done $0x0  }
0x72: {  	[sflag:s12] =	ssyncadd.s32 $0xFFFFD800  }
0x73: {  	_ =	sfence.sel $0x180000  }
0x74: {  	[bflag:$0x0] =	sbarrier.arrive $0xFFFF  }
0x75: {  	p0 =	sne.s32 s2, $0x0;
	_ =	strace $0x9000004A  }
0x76: {  	s0 =	sadd.s32 @!p0 $0x100000, s0;
	[bflag:$0x2] =	sbarrier.arrive $0xFFFF  }
0x77: {  	[sflag:s0] =	ssyncadd.tile.s32 @!p0 $0x1;
	_ =	shalt  }
.Lfunc_end2:
_tile_overlayer_lowered:
.L_overlay_start_2:
0x78: {  	(tag) =	ssettag $0x2  }
0x79: {  	s0 =	rddreg [dreg:$0x0];
	s2 =	stileid.u32  }
0x7a: {  	s1 =	rddreg [dreg:$0x1];
	p0 =	sne.s32 s2, $0x0  }
0x7b: {  	s3 =	rddreg [dreg:$0x2];
	[bflag:$0x3] =	sbarrier.arrive $0xFFFF;
	s2 =	simm.s32 @!p0 $0x1C07  }
0x7c: {  	[timem:s3], [sflag:s2] =	dma.local @!p0 [hbm:s0], s1  }
0x7d: {  	s0 =	simm.s32 @!p0 $0x7  }
0x7e: {  	_ =	swait.ge @!p0 [sflag:s0], s1  }
0x7f: {  	s1 =	ssub.s32 @!p0 $0x0, s1;
	[sflag:s0] =	ssyncset.done @!p0 $0x0  }
0x80: {  	[sflag:s0] =	ssyncadd.s32 @!p0 s1  }
0x81: {  	[bflag:$0x3] =	sbarrier.arrive $0xFFFF  }
0x82: {  	_ =	shalt  }

// kernel: kernel.14.cloned.1.call-start
scs
__scs_entry_jumppad:
0x0: {  	(pc) =	sbr.rel $0x88, $3  }
0x1: {  	(tag) =	ssettag $0x0;
	lr =	simm.s32 $0x1  }
0x2: {  	[smem:$0x3F9B] =	sst lr;
	_ =	strace $0xD0000000  }
0x3: {  	_ = 	snop  }
0x4: {  	_ = 	snop  }
0x5: {  	_ = 	snop  }
0x6: {  	_ = 	snop  }
0x7: {  	_ = 	snop  }
__scs_overlays_trampoline_lowered:
0x8: {  	[smem:$0x3FAA] =	sst s0  }
0x9: {  	[smem:$0x3FAB] =	sst s1  }
0xa: {  	[smem:$0x3FAC] =	sst s2  }
0xb: {  	[smem:$0x3FAD] =	sst s3  }
0xc: {  	[smem:$0x3FAE] =	sst s4  }
0xd: {  	[smem:$0x3FAF] =	sst s5  }
0xe: {  	[smem:$0x3FB0] =	sst s6  }
0xf: {  	[smem:$0x3FB1] =	sst s7  }
0x10: {  	[smem:$0x3FB2] =	sst s8  }
0x11: {  	[smem:$0x3FB3] =	sst s9;
	s0 =	simm.s32 @!p0 $0x0  }
0x12: {  	s1 =	sld [smem:$0x3F99];
	s0 =	simm.s32 @p0 $0x1  }
0x13: {  	[smem:$0x3FB4] =	sst s0;
	s0 =	simm.s32 @!p1 $0x0  }
0x14: {  	s2 =	sld [smem:$0x3F98];
	s0 =	simm.s32 @p1 $0x1  }
0x15: {  	[smem:$0x3FB5] =	sst s0;
	s0 =	simm.s32 @!p2 $0x0  }
0x16: {  	s3 =	sld [smem:$0x3FDB];
	s0 =	simm.s32 @p2 $0x1  }
0x17: {  	s4 =	simm.s32 $0x1BF5;
	[smem:$0x3FB7] =	sst s0  }
0x18: {  	s0 =	sld [smem:$0x3F9A];
	_ =	swait.ge [sflag:s4], $0x0  }
0x19: {  	s7 =	sld [smem:$0x3F9B]  }
0x1a: {  	s8 =	sadd.s32 $0xFFFFE003, lr  }
0x1b: {  	s9 =	sadd.s32 $0xFFFFFEF7, lr;
	s5 =	simm.s32 $0xFFFFFFFF;
	p2 =	slt.u32 s8, $0xFFFFF086  }
0x1c: {  	p1 =	slt.u32 s9, $0xF7A;
	s5 =	simm.s32 @!p2 $0x0  }
0x1d: {  	s5 =	simm.s32 @p1 $0x1;
	p0 =	seq.s32 s7, s2  }
0x1e: {  	s7 =	smul.u32 @!p0 $0xF7A, s2;
	p2 =	seq.s32 @!p0 s5, $0x0  }
0x1f: {  	s9 =	smul.u32 $0xF7A, s1;
	s8 =	simm.s32 @!p0 $0x1BF5;
	p2 =	por !p2, p0  }
0x20: {  	[sflag:s8] =	ssyncset.s32 @!p0 $0xFFFFF086;
	s6 =	sadd.s32 @!p0 s3, s7;
	s7 =	simm.s32 @!p0 $0x108  }
0x21: {  	s3 =	sadd.s32 s3, s9;
	s6 =	sadd.s32 @!p0 $0x88, s6;
	s7 =	simm.s32 @p2 $0x1082  }
0x22: {  	[simem:s7], [sflag:s8] =	dma.local @!p0 [hbm:s6], $0xF7A  }
0x23: {  	s9 =	sor.u32 $0xD0000000, s2;
	s6 =	simm.s32 $0x108;
	_ =	swait.ge @!p0 [sflag:s8], $0x0  }
0x24: {  	s3 =	sadd.s32 $0x88, s3;
	s6 =	simm.s32 @!p1 $0x1082;
	[sflag:s4] =	ssyncset.s32 $0xFFFFF086  }
0x25: {  	[simem:s6], [sflag:s4] =	dma.local [hbm:s3], $0xF7A  }
0x26: {  	[smem:$0x3F9B] =	sst s1;
	(tag) =	ssettag s2;
	_ =	strace s9  }
0x27: {  	s1 =	sld [smem:$0x3FAB]  }
0x28: {  	s2 =	sld [smem:$0x3FAC]  }
0x29: {  	s4 =	sld [smem:$0x3FAE]  }
0x2a: {  	p0 =	seq.s32 s5, $0x0;
	s5 =	sld [smem:$0x3FAF]  }
0x2b: {  	s6 =	sld [smem:$0x3FB0]  }
0x2c: {  	s7 =	sld [smem:$0x3FB1]  }
0x2d: {  	s3 =	simm.s32 $0x108;
	s8 =	sld [smem:$0x3FB2]  }
0x2e: {  	s3 =	simm.s32 @!p0 $0x1082;
	s9 =	sld [smem:$0x3FB3]  }
0x2f: {  	lr =	sadd.s32 s0, s3;
	s0 =	sld [smem:$0x3FAA]  }
0x30: {  	s3 =	sld [smem:$0x3FAD]  }
0x31: {  	[smem:$0x3FB6] =	sst s10  }
0x32: {  	s10 =	sld [smem:$0x3FB4];
	_ =	sdelay $0x3  }
0x33: {  	p0 =	seq.s32 s10, $0x1;
	s10 =	sld [smem:$0x3FB6];
	_ =	sdelay $0x3  }
0x34: {  	[smem:$0x3FB6] =	sst s10  }
0x35: {  	s10 =	sld [smem:$0x3FB5];
	_ =	sdelay $0x3  }
0x36: {  	p1 =	seq.s32 s10, $0x1;
	s10 =	sld [smem:$0x3FB6];
	_ =	sdelay $0x3  }
0x37: {  	[smem:$0x3FB6] =	sst s10  }
0x38: {  	s10 =	sld [smem:$0x3FB7]  }
0x39: {  	_ = 	snop;
	(pc) =	sbr.ind lr, $3  }
0x3a: {  	_ = 	snop  }
0x3b: {  	_ = 	snop  }
0x3c: {  	p2 =	seq.s32 s10, $0x1;
	s10 =	sld [smem:$0x3FB6]  }
0x3d: {  	_ =	shalt  }
0x3e: {  	_ =	shalt  }
0x3f: {  	_ =	shalt  }
0x40: {  	_ =	shalt  }
0x41: {  	_ =	shalt  }
0x42: {  	_ =	shalt  }
0x43: {  	_ =	shalt  }
0x44: {  	_ =	shalt  }
0x45: {  	_ =	shalt  }
0x46: {  	_ =	shalt  }
0x47: {  	_ =	shalt  }
0x48: {  	_ =	shalt  }
0x49: {  	_ =	shalt  }
0x4a: {  	_ =	shalt  }
0x4b: {  	_ =	shalt  }
0x4c: {  	_ =	shalt  }
0x4d: {  	_ =	shalt  }
0x4e: {  	_ =	shalt  }
0x4f: {  	_ =	shalt  }
0x50: {  	_ =	shalt  }
0x51: {  	_ =	shalt  }
0x52: {  	_ =	shalt  }
0x53: {  	_ =	shalt  }
0x54: {  	_ =	shalt  }
0x55: {  	_ =	shalt  }
0x56: {  	_ =	shalt  }
0x57: {  	_ =	shalt  }
0x58: {  	_ =	shalt  }
0x59: {  	_ =	shalt  }
0x5a: {  	_ =	shalt  }
0x5b: {  	_ =	shalt  }
0x5c: {  	_ =	shalt  }
0x5d: {  	_ =	shalt  }
0x5e: {  	_ =	shalt  }
0x5f: {  	_ =	shalt  }
0x60: {  	_ =	shalt  }
0x61: {  	_ =	shalt  }
0x62: {  	_ =	shalt  }
0x63: {  	_ =	shalt  }
0x64: {  	_ =	shalt  }
0x65: {  	_ =	shalt  }
0x66: {  	_ =	shalt  }
0x67: {  	_ =	shalt  }
0x68: {  	_ =	shalt  }
0x69: {  	_ =	shalt  }
0x6a: {  	_ =	shalt  }
0x6b: {  	_ =	shalt  }
0x6c: {  	_ =	shalt  }
0x6d: {  	_ =	shalt  }
0x6e: {  	_ =	shalt  }
0x6f: {  	_ =	shalt  }
0x70: {  	_ =	shalt  }
0x71: {  	_ =	shalt  }
0x72: {  	_ =	shalt  }
0x73: {  	_ =	shalt  }
0x74: {  	_ =	shalt  }
0x75: {  	_ =	shalt  }
0x76: {  	_ =	shalt  }
0x77: {  	_ =	shalt  }
0x78: {  	_ =	shalt  }
0x79: {  	_ =	shalt  }
0x7a: {  	_ =	shalt  }
0x7b: {  	_ =	shalt  }
0x7c: {  	_ =	shalt  }
0x7d: {  	_ =	shalt  }
0x7e: {  	_ =	shalt  }
0x7f: {  	_ =	shalt  }
0x80: {  	_ =	shalt  }
0x81: {  	_ =	shalt  }
0x82: {  	_ =	shalt  }
0x83: {  	_ =	shalt  }
0x84: {  	_ =	shalt  }
0x85: {  	_ =	shalt  }
0x86: {  	_ =	shalt  }
0x87: {  	_ =	shalt  }
.Lfunc_end0:
.L_simem_size_0:
called_computation.2_lowered:
.L_overlay_start_0:
0x88: {  	s2 =	sld [smem:$0x3FD9]  }
0x89: {  	s3 =	sld [smem:$0x3FFE];
	_ =	sdelay $0x1  }
0x8a: {  	s1 =	srdreg.scid  }
0x8b: {  	s0 =	sand.u32 $0x1, s1  }
0x8c: {  	s17 =	sshll.u32 s0, $0xA;
	s2 =	sadd.s32 s3, s2  }
0x8d: {  	s2 =	sadd.s32 s2, s17  }
0x8e: {  	[smem:$0x3FC2] =	sst s2  }
0x8f: {  	_ = 	snop  }
0x90: {  	s2 =	sld [smem:$0x3FD0];
	(tm) =	ssettm $0x1  }
0x91: {  	s18 =	sld [smem:$0x3FFB];
	_ =	sdelay $0x3  }
0x92: {  	_ =	strace s18  }
0x93: {  	s3 =	sld [smem:$0x3FFC];
	_ =	sdelay $0x3  }
0x94: {  	_ =	strace s3  }
0x95: {  	s3 =	sld [smem:$0x3FFD];
	_ =	sdelay $0x3  }
0x96: {  	_ =	strace s3  }
0x97: {  	_ =	strace $0x8FFFFFFF  }
0x98: {  	s19 =	sld [smem:$0x3FDB];
	_ =	sdelay $0x1  }
0x99: {  	s4 =	simm.s32 $_scs_section_size  }
0x9a: {  	s5 =	simm.s32 $_size__tile_overlayer_lowered;
	s6 =	simm.s32 $_tile_overlayer_lowered  }
0x9b: {  	s22 =	simm.s32 $0x1BFF;
	s21 =	sshll.u32 s6, $0x1;
	s3 =	sadd.s32 s4, s19  }
0x9c: {  	s7 =	simm.s32 $0x0;
	s20 =	sshll.u32 s5, $0x1;
	s5 =	sadd.s32 s21, s3  }
0x9d: {  	[timem:s7], [sflag:s22] =	dma.local [hbm:s5], s20  }
0x9e: {  	_ =	swait.ge [sflag:s22], s20  }
0x9f: {  	s4 =	ssub.s32 $0x0, s20;
	[sflag:s22] =	ssyncset.done $0x0  }
0xa0: {  	[sflag:s22] =	ssyncadd.s32 s4;
	_ =	sdelay $0x1  }
0xa1: {  	s23 =	simm.s32 $0x1B8B  }
0xa2: {  	_ =	swait.ge [sflag:s23], $0x1  }
0xa3: {  	[sflag:s23] =	ssyncset.done $0x0  }
0xa4: {  	s25 =	simm.s32 $0x1B8E;
	s24 =	sld [smem:$0x3FFE];
	[sflag:s23] =	ssyncadd.s32 $0xFFFFFFFF  }
0xa5: {  	s26 =	simm.s32 $execute0_lowered;
	[smem:$0x3FD2] =	sst s25  }
0xa6: {  	s5 =	sshll.u32 s26, $0x1;
	_ =	strace $0x8000004C;
	[dreg:$0x1] =	wrdreg $0xFFFFFFFF  }
0xa7: {  	s28 =	simm.s32 $_size_execute0_lowered;
	s3 =	sadd.s32 s3, s5;
	[dreg:$0x0] =	wrdreg $0x0  }
0xa8: {  	s5 =	sshll.u32 s28, $0x1;
	[dreg:$0x2] =	wrdreg s3  }
0xa9: {  	[dreg:$0x3] =	wrdreg s5  }
0xaa: {  	[dreg:$0x4] =	wrdreg $0xC0  }
0xab: {  	_ =	task [dreg:s7], $0x5FFFF  }
0xac: {  	[dreg:$0x1] =	wrdreg $0xFFFFFFFF  }
0xad: {  	[dreg:$0x0] =	wrdreg $0x60  }
0xae: {  	[dreg:$0x2] =	wrdreg s24  }
0xaf: {  	[dreg:$0x3] =	wrdreg s2  }
0xb0: {  	[dreg:$0x4] =	wrdreg $0xA9000  }
0xb1: {  	[dreg:$0x5] =	wrdreg $0x9  }
0xb2: {  	_ =	task.clear_ibuf [dreg:s7], $0x6FFFF;
	_ =	strace $0x9000004C  }
0xb3: {  	s29 =	simm.s32 $0x9;
	_ =	strace $0x8000004E  }
0xb4: {  	_ =	swait.ge [sflag:s29], $0x1  }
0xb5: {  	[sflag:s29] =	ssyncadd.s32 $0xFFFFFFFF  }
0xb6: {  	_ =	strace $0x9000004E  }
0xb7: {  	_ =	sfence  }
0xb8: {  	s30 =	sld [smem:$0x0];
	_ =	sdelay $0x2  }
0xb9: {  	s31 =	sshll.u32 s1, $0xD;
	s1 =	sshrl.u32 s1, $0x2  }
0xba: {  	s3 =	sand.u32 $0x4000, s31;
	s1 =	sadd.s32 s1, s30  }
0xbb: {  	s0 =	sor.u32 s3, s0;
	s1 =	sshll.u32 s1, $0x11  }
0xbc: {  	s0 =	sor.u32 s1, s0  }
0xbd: {  	s0 =	sadd.s32 $0x8F2B, s0  }
0xbe: {  	[sflag:s0] =	ssyncadd.remote.s32 $0x1  }
0xbf: {  	_ =	sfence.sel $0xFFFF  }
0xc0: {  	[dreg:$0x0] =	wrdreg $0xFFFFFFFF;
	(pc) =	sbr.abs _section_cstart, $3  }
0xc1: {  	[dreg:$0x1] =	wrdreg $0xFFFFFFFF  }
0xc2: {  	_ =	task.clear_ibuf [dreg:s7], $0x2FFFF;
	_ =	strace $0x9FFFFFFF  }
0xc3: {  	(tm) =	ssettm $0x7FFFFFFF  }
tec
execute0_lowered:
.L_overlay_start_1:
0x0: {  	(tag) =	ssettag $0x1  }
0x1: {  	s6 =	rddreg [dreg:$0x0]  }
0x2: {  	s7 =	rddreg [dreg:$0x1]  }
0x3: {  	s1 =	rddreg [dreg:$0x2]  }
0x4: {  	s0 =	rddreg [dreg:$0x3]  }
0x5: {  	s3 =	simm.s32 $0x0;
	s2 =	srdreg.scid;
	s17 =	simm.s32 $0x2900  }
0x6: {  	s18 =	simm.s32 $0x2880;
	s19 =	simm.s32 $0x6900;
	s20 =	simm.s32 $0x1  }
0x7: {  	s21 =	simm.s32 $0x5;
	s22 =	simm.s32 $0x3;
	s23 =	simm.s32 $0x2  }
0x8: {  	s24 =	simm.s32 $0x6;
	s25 =	simm.s32 $0x4;
	s8 =	sand.u32 $0x1, s2  }
0x9: {  	s26 =	simm.s32 $0x0;
	s2 =	stileid.u32;
	s5 =	smul.u32 $0x140000, s8  }
0xa: {  	[smem:$0x7FF] =	sst s3;
	s4 =	sadd.s32 $0x5F000, s6;
	s9 =	smul.u32 $0x14000, s2  }
0xb: {  	s11 =	sadd.s32 $0x2000, s6;
	_ =	strace $0x8000004D;
	s14 =	smul.u32 $0x50000, s2  }
0xc: {  	s10 =	sshll.u32 s8, $0x4;
	s28 =	ssub.s32 $0x2, s8;
	s30 =	smul.u32 $0x5000, s8  }
0xd: {  	s16 =	smul.u32 $0x500, s2;
	s31 =	sshll.u32 s2, $0x6;
	s10 =	sor.u32 s2, s10  }
0xe: {  	s13 =	sshrl.u32 s28, $0x1;
	s5 =	sadd.s32 s9, s5;
	s10 =	smul.u32 $0x500, s10  }
0xf: {  	s13 =	ssub.s32 s28, s13;
	s29 =	sshrl.u32 s14, $0x2;
	s12 =	sshrl.u32 s5, $0x3  }
0x10: {  	s5 =	sadd.s32 $0xC800, s6;
	s15 =	sadd.s32 s29, s1;
	s12 =	sadd.s32 s12, s6  }
0x11: {  	s6 =	sadd.s32 s7, s10;
	s7 =	sadd.s32 s11, s10;
	s11 =	sadd.s32 s30, s11  }
0x12: {  	s10 =	smax.u32 s13, $0x1;
	s13 =	sor.u32 $0x1C07, s31;
	s14 =	sshrl.u32 s15, $0x3  }
0x13: {  	s15 =	simm.s32 $0x2800;
	s8 =	sadd.s32 $0x10, s7;
	s9 =	sadd.s32 $0x87000, s12  }
0x14: {  	s11 =	sadd.s32 s16, s11;
	s12 =	simm.s32 $0x7;
	s16 =	simm.s32 $0x80  }
.LBB2_1:
0x15: {  	[tilespmem:s3], [sflag:$0x7] =	stream.linear.gather [hbm4b:s6+s3], $0x2800, $0x38;
	[tilespmem:$0x1E900] =	vst v63  }
0x16: {  	_ =	swait.ge [sflag:s12], $0x2800  }
0x17: {  	[sflag:s12] =	ssyncset.done $0x0  }
0x18: {  	[sflag:s12] =	ssyncadd.s32 $0xFFFFD800  }
0x19: {  	[spmem:s14], [sflag:s13] =	dma.local [hbm:s5], $0x2800  }
0x1a: {  	_ =	swait.ge [sflag:s12], $0x2800  }
0x1b: {  	[sflag:s12] =	ssyncset.done $0x0  }
0x1c: {  	[sflag:s12] =	ssyncadd.s32 $0xFFFFD800  }
0x1d: {  	[bflag:$0x0] =	sbarrier.arrive $0xFFFF  }
0x1e: {  	[tilespmem:s15], [sflag:$0x5] =	stream.linear.gather [hbm4b:s7+s3], $0x80, $0x38;
	[tilespmem:$0x1E900] =	vst v63  }
0x1f: {  	_ = 	snop  }
0x20: {  	[tilespmem:s17], [sflag:$0x1] =	stream.indirect.gather [hbm4b:s4+s16], $0x80, s3, s16, $0xb8;
	[tilespmem:$0x1E900] =	vst v63  }
0x21: {  	_ = 	snop  }
0x22: {  	[tilespmem:s18], [sflag:$0x6] =	stream.linear.gather [hbm4b:s8+s3], $0x80, $0x38;
	[tilespmem:$0x1E900] =	vst v63  }
0x23: {  	_ = 	snop  }
0x24: {  	[tilespmem:s19], [sflag:$0x2] =	stream.indirect.gather [hbm4b:s4+s16], $0x80, s16, s16, $0xb8;
	[tilespmem:$0x1E900] =	vst v63  }
0x25: {  	_ =	swait.ge [sflag:s20], $0x4000  }
0x26: {  	[sflag:s20] =	ssyncset.done $0x0  }
0x27: {  	[sflag:s20] =	ssyncadd.s32 $0xFFFFC000  }
0x28: {  	_ =	swait.ge [sflag:s21], $0x80  }
0x29: {  	[sflag:s21] =	ssyncset.done $0x0  }
0x2a: {  	[sflag:s21] =	ssyncadd.s32 $0xFFFFFF80  }
0x2b: {  	[spmem:s1] =	stream.indirect.scatter.add.f32 [tilespmem:s17], [sflag:$0x3], $0x80, s15, s16, $0xb8;
	[tilespmem:$0x1E900] =	vst v63  }
0x2c: {  	_ =	swait.ge [sflag:s22], $0x4000  }
0x2d: {  	[sflag:s22] =	ssyncset.done $0x0  }
0x2e: {  	s28 =	simm.s32 $0x100;
	s29 =	sadd.s32 $0x0, s11;
	[sflag:s22] =	ssyncadd.s32 $0xFFFFC000  }
0x2f: {  	[tilespmem:s17], [sflag:$0x1] =	stream.indirect.gather [hbm4b:s4+s16], $0x80, s28, s16, $0xb8;
	[tilespmem:$0x1E900] =	vst v63  }
0x30: {  	s28 =	sadd.s32 $0x20, s29  }
0x31: {  	[tilespmem:s15], [sflag:$0x5] =	stream.linear.gather [hbm4b:s28+s3], $0x80, $0x38;
	[tilespmem:$0x1E900] =	vst v63  }
0x32: {  	_ =	swait.ge [sflag:s23], $0x4000  }
0x33: {  	[sflag:s23] =	ssyncset.done $0x0  }
0x34: {  	[sflag:s23] =	ssyncadd.s32 $0xFFFFC000  }
0x35: {  	_ =	swait.ge [sflag:s24], $0x80  }
0x36: {  	[sflag:s24] =	ssyncset.done $0x0  }
0x37: {  	[sflag:s24] =	ssyncadd.s32 $0xFFFFFF80  }
0x38: {  	[spmem:s1] =	stream.indirect.scatter.add.f32 [tilespmem:s19], [sflag:$0x4], $0x80, s18, s16, $0xb8;
	[tilespmem:$0x1E900] =	vst v63  }
0x39: {  	_ =	swait.ge [sflag:s25], $0x4000  }
0x3a: {  	[sflag:s25] =	ssyncset.done $0x0  }
0x3b: {  	s28 =	simm.s32 $0x180;
	[sflag:s25] =	ssyncadd.s32 $0xFFFFC000  }
0x3c: {  	[tilespmem:s19], [sflag:$0x2] =	stream.indirect.gather [hbm4b:s4+s16], $0x80, s28, s16, $0xb8;
	[tilespmem:$0x1E900] =	vst v63  }
0x3d: {  	s30 =	sadd.s32 $0x30, s29;
	s29 =	simm.s32 $0x280;
	s28 =	simm.s32 $0x20  }
.LBB2_2:
0x3e: {  	[tilespmem:s18], [sflag:$0x6] =	stream.linear.gather [hbm4b:s30+s3], $0x80, $0x38;
	[tilespmem:$0x1E900] =	vst v63  }
0x3f: {  	s30 =	smov.u32 s28  }
0x40: {  	p0 =	sne.s32 s28, $0x4C0;
	s28 =	sadd.s32 $0x20, s28;
	_ =	swait.ge [sflag:s20], $0x4000  }
0x41: {  	[sflag:s20] =	ssyncset.done $0x0  }
0x42: {  	[sflag:s20] =	ssyncadd.s32 $0xFFFFC000  }
0x43: {  	_ =	swait.ge [sflag:s21], $0x80  }
0x44: {  	[sflag:s21] =	ssyncset.done $0x0  }
0x45: {  	[sflag:s21] =	ssyncadd.s32 $0xFFFFFF80  }
0x46: {  	[spmem:s1] =	stream.indirect.scatter.add.f32 [tilespmem:s17], [sflag:$0x3], $0x80, s15, s16, $0xb8;
	[tilespmem:$0x1E900] =	vst v63  }
0x47: {  	_ =	swait.ge [sflag:s22], $0x4000  }
0x48: {  	[sflag:s22] =	ssyncset.done $0x0  }
0x49: {  	s31 =	sadd.s32 $0xFFFFFF80, s29;
	s30 =	sadd.s32 s30, s11;
	[sflag:s22] =	ssyncadd.s32 $0xFFFFC000  }
0x4a: {  	[tilespmem:s17], [sflag:$0x1] =	stream.indirect.gather [hbm4b:s4+s16], $0x80, s31, s16, $0xb8;
	[tilespmem:$0x1E900] =	vst v63  }
0x4b: {  	s31 =	sadd.s32 $0x20, s30  }
0x4c: {  	[tilespmem:s15], [sflag:$0x5] =	stream.linear.gather [hbm4b:s31+s3], $0x80, $0x38;
	[tilespmem:$0x1E900] =	vst v63  }
0x4d: {  	_ =	swait.ge [sflag:s23], $0x4000  }
0x4e: {  	[sflag:s23] =	ssyncset.done $0x0  }
0x4f: {  	[sflag:s23] =	ssyncadd.s32 $0xFFFFC000  }
0x50: {  	_ =	swait.ge [sflag:s24], $0x80  }
0x51: {  	[sflag:s24] =	ssyncset.done $0x0  }
0x52: {  	[sflag:s24] =	ssyncadd.s32 $0xFFFFFF80  }
0x53: {  	[spmem:s1] =	stream.indirect.scatter.add.f32 [tilespmem:s19], [sflag:$0x4], $0x80, s18, s16, $0xb8;
	[tilespmem:$0x1E900] =	vst v63  }
.Ltmp0:
0x54: {  	_ =	swait.ge [sflag:s25], $0x4000;
	(pc) =	sbr.rel @p0 .LBB2_2-.Ltmp0, $4  }
0x55: {  	[sflag:s25] =	ssyncset.done $0x0  }
0x56: {  	[sflag:s25] =	ssyncadd.s32 $0xFFFFC000  }
0x57: {  	[tilespmem:s19], [sflag:$0x2] =	stream.indirect.gather [hbm4b:s4+s16], $0x80, s29, s16, $0xb8;
	[tilespmem:$0x1E900] =	vst v63  }
0x58: {  	s30 =	sadd.s32 $0x30, s30;
	s29 =	sadd.s32 $0x100, s29  }
0x59: {  	[tilespmem:s18], [sflag:$0x6] =	stream.linear.gather [hbm4b:s30+s3], $0x80, $0x38;
	[tilespmem:$0x1E900] =	vst v63  }
0x5a: {  	_ =	swait.ge [sflag:s20], $0x4000  }
0x5b: {  	[sflag:s20] =	ssyncset.done $0x0  }
0x5c: {  	[sflag:s20] =	ssyncadd.s32 $0xFFFFC000  }
0x5d: {  	_ =	swait.ge [sflag:s21], $0x80  }
0x5e: {  	[sflag:s21] =	ssyncset.done $0x0  }
0x5f: {  	[sflag:s21] =	ssyncadd.s32 $0xFFFFFF80  }
0x60: {  	[spmem:s1] =	stream.indirect.scatter.add.f32 [tilespmem:s17], [sflag:$0x3], $0x80, s15, s16, $0xb8;
	[tilespmem:$0x1E900] =	vst v63  }
0x61: {  	_ =	swait.ge [sflag:s23], $0x4000  }
0x62: {  	[sflag:s23] =	ssyncset.done $0x0  }
0x63: {  	[sflag:s23] =	ssyncadd.s32 $0xFFFFC000  }
0x64: {  	_ =	swait.ge [sflag:s24], $0x80  }
0x65: {  	[sflag:s24] =	ssyncset.done $0x0  }
0x66: {  	[sflag:s24] =	ssyncadd.s32 $0xFFFFFF80  }
0x67: {  	[spmem:s1] =	stream.indirect.scatter.add.f32 [tilespmem:s19], [sflag:$0x4], $0x80, s18, s16, $0xb8;
	[tilespmem:$0x1E900] =	vst v63  }
0x68: {  	_ =	swait.ge [sflag:s22], $0x4000  }
0x69: {  	[sflag:s22] =	ssyncset.done $0x0  }
0x6a: {  	[sflag:s22] =	ssyncadd.s32 $0xFFFFC000  }
0x6b: {  	_ =	swait.ge [sflag:s25], $0x4000  }
0x6c: {  	s26 =	sadd.s32 $0x1, s26;
	[sflag:s25] =	ssyncset.done $0x0  }
0x6d: {  	p0 =	sne.s32 s26, s10;
	[sflag:s25] =	ssyncadd.s32 $0xFFFFC000  }
.Ltmp1:
0x6e: {  	[bflag:$0x0] =	sbarrier.arrive $0xFFFF;
	(pc) =	sbr.rel @p0 .LBB2_1-.Ltmp1, $4  }
0x6f: {  	[hbm:s9], [sflag:s13] =	dma.local [spmem:s14], $0x2800  }
0x70: {  	_ =	swait.ge [sflag:s12], $0x2800  }
0x71: {  	[sflag:s12] =	ssyncset.done $0x0  }
0x72: {  	[sflag:s12] =	ssyncadd.s32 $0xFFFFD800  }
0x73: {  	_ =	sfence.sel $0x180000  }
0x74: {  	[bflag:$0x0] =	sbarrier.arrive $0xFFFF  }
0x75: {  	p0 =	sne.s32 s2, $0x0;
	_ =	strace $0x9000004D  }
0x76: {  	s0 =	sadd.s32 @!p0 $0x100000, s0;
	[bflag:$0x2] =	sbarrier.arrive $0xFFFF  }
0x77: {  	[sflag:s0] =	ssyncadd.tile.s32 @!p0 $0x1;
	_ =	shalt  }
.Lfunc_end2:
_tile_overlayer_lowered:
.L_overlay_start_2:
0x78: {  	(tag) =	ssettag $0x2  }
0x79: {  	s0 =	rddreg [dreg:$0x0];
	s2 =	stileid.u32  }
0x7a: {  	s1 =	rddreg [dreg:$0x1];
	p0 =	sne.s32 s2, $0x0  }
0x7b: {  	s3 =	rddreg [dreg:$0x2];
	[bflag:$0x3] =	sbarrier.arrive $0xFFFF;
	s2 =	simm.s32 @!p0 $0x1C07  }
0x7c: {  	[timem:s3], [sflag:s2] =	dma.local @!p0 [hbm:s0], s1  }
0x7d: {  	s0 =	simm.s32 @!p0 $0x7  }
0x7e: {  	_ =	swait.ge @!p0 [sflag:s0], s1  }
0x7f: {  	s1 =	ssub.s32 @!p0 $0x0, s1;
	[sflag:s0] =	ssyncset.done @!p0 $0x0  }
0x80: {  	[sflag:s0] =	ssyncadd.s32 @!p0 s1  }
0x81: {  	[bflag:$0x3] =	sbarrier.arrive $0xFFFF  }
0x82: {  	_ =	shalt  }

// kernel: kernel.8.cloned.1.call-start
scs
__scs_entry_jumppad:
0x0: {  	(pc) =	sbr.rel $0x88, $3  }
0x1: {  	(tag) =	ssettag $0x0;
	lr =	simm.s32 $0x1  }
0x2: {  	[smem:$0x3F9B] =	sst lr;
	_ =	strace $0xD0000000  }
0x3: {  	_ = 	snop  }
0x4: {  	_ = 	snop  }
0x5: {  	_ = 	snop  }
0x6: {  	_ = 	snop  }
0x7: {  	_ = 	snop  }
__scs_overlays_trampoline_lowered:
0x8: {  	[smem:$0x3FAA] =	sst s0  }
0x9: {  	[smem:$0x3FAB] =	sst s1  }
0xa: {  	[smem:$0x3FAC] =	sst s2  }
0xb: {  	[smem:$0x3FAD] =	sst s3  }
0xc: {  	[smem:$0x3FAE] =	sst s4  }
0xd: {  	[smem:$0x3FAF] =	sst s5  }
0xe: {  	[smem:$0x3FB0] =	sst s6  }
0xf: {  	[smem:$0x3FB1] =	sst s7  }
0x10: {  	[smem:$0x3FB2] =	sst s8  }
0x11: {  	[smem:$0x3FB3] =	sst s9;
	s0 =	simm.s32 @!p0 $0x0  }
0x12: {  	s1 =	sld [smem:$0x3F99];
	s0 =	simm.s32 @p0 $0x1  }
0x13: {  	[smem:$0x3FB4] =	sst s0;
	s0 =	simm.s32 @!p1 $0x0  }
0x14: {  	s2 =	sld [smem:$0x3F98];
	s0 =	simm.s32 @p1 $0x1  }
0x15: {  	[smem:$0x3FB5] =	sst s0;
	s0 =	simm.s32 @!p2 $0x0  }
0x16: {  	s3 =	sld [smem:$0x3FDB];
	s0 =	simm.s32 @p2 $0x1  }
0x17: {  	s4 =	simm.s32 $0x1BF5;
	[smem:$0x3FB7] =	sst s0  }
0x18: {  	s0 =	sld [smem:$0x3F9A];
	_ =	swait.ge [sflag:s4], $0x0  }
0x19: {  	s7 =	sld [smem:$0x3F9B]  }
0x1a: {  	s8 =	sadd.s32 $0xFFFFE003, lr  }
0x1b: {  	s9 =	sadd.s32 $0xFFFFFEF7, lr;
	s5 =	simm.s32 $0xFFFFFFFF;
	p2 =	slt.u32 s8, $0xFFFFF086  }
0x1c: {  	p1 =	slt.u32 s9, $0xF7A;
	s5 =	simm.s32 @!p2 $0x0  }
0x1d: {  	s5 =	simm.s32 @p1 $0x1;
	p0 =	seq.s32 s7, s2  }
0x1e: {  	s7 =	smul.u32 @!p0 $0xF7A, s2;
	p2 =	seq.s32 @!p0 s5, $0x0  }
0x1f: {  	s9 =	smul.u32 $0xF7A, s1;
	s8 =	simm.s32 @!p0 $0x1BF5;
	p2 =	por !p2, p0  }
0x20: {  	[sflag:s8] =	ssyncset.s32 @!p0 $0xFFFFF086;
	s6 =	sadd.s32 @!p0 s3, s7;
	s7 =	simm.s32 @!p0 $0x108  }
0x21: {  	s3 =	sadd.s32 s3, s9;
	s6 =	sadd.s32 @!p0 $0x88, s6;
	s7 =	simm.s32 @p2 $0x1082  }
0x22: {  	[simem:s7], [sflag:s8] =	dma.local @!p0 [hbm:s6], $0xF7A  }
0x23: {  	s9 =	sor.u32 $0xD0000000, s2;
	s6 =	simm.s32 $0x108;
	_ =	swait.ge @!p0 [sflag:s8], $0x0  }
0x24: {  	s3 =	sadd.s32 $0x88, s3;
	s6 =	simm.s32 @!p1 $0x1082;
	[sflag:s4] =	ssyncset.s32 $0xFFFFF086  }
0x25: {  	[simem:s6], [sflag:s4] =	dma.local [hbm:s3], $0xF7A  }
0x26: {  	[smem:$0x3F9B] =	sst s1;
	(tag) =	ssettag s2;
	_ =	strace s9  }
0x27: {  	s1 =	sld [smem:$0x3FAB]  }
0x28: {  	s2 =	sld [smem:$0x3FAC]  }
0x29: {  	s4 =	sld [smem:$0x3FAE]  }
0x2a: {  	p0 =	seq.s32 s5, $0x0;
	s5 =	sld [smem:$0x3FAF]  }
0x2b: {  	s6 =	sld [smem:$0x3FB0]  }
0x2c: {  	s7 =	sld [smem:$0x3FB1]  }
0x2d: {  	s3 =	simm.s32 $0x108;
	s8 =	sld [smem:$0x3FB2]  }
0x2e: {  	s3 =	simm.s32 @!p0 $0x1082;
	s9 =	sld [smem:$0x3FB3]  }
0x2f: {  	lr =	sadd.s32 s0, s3;
	s0 =	sld [smem:$0x3FAA]  }
0x30: {  	s3 =	sld [smem:$0x3FAD]  }
0x31: {  	[smem:$0x3FB6] =	sst s10  }
0x32: {  	s10 =	sld [smem:$0x3FB4];
	_ =	sdelay $0x3  }
0x33: {  	p0 =	seq.s32 s10, $0x1;
	s10 =	sld [smem:$0x3FB6];
	_ =	sdelay $0x3  }
0x34: {  	[smem:$0x3FB6] =	sst s10  }
0x35: {  	s10 =	sld [smem:$0x3FB5];
	_ =	sdelay $0x3  }
0x36: {  	p1 =	seq.s32 s10, $0x1;
	s10 =	sld [smem:$0x3FB6];
	_ =	sdelay $0x3  }
0x37: {  	[smem:$0x3FB6] =	sst s10  }
0x38: {  	s10 =	sld [smem:$0x3FB7]  }
0x39: {  	_ = 	snop;
	(pc) =	sbr.ind lr, $3  }
0x3a: {  	_ = 	snop  }
0x3b: {  	_ = 	snop  }
0x3c: {  	p2 =	seq.s32 s10, $0x1;
	s10 =	sld [smem:$0x3FB6]  }
0x3d: {  	_ =	shalt  }
0x3e: {  	_ =	shalt  }
0x3f: {  	_ =	shalt  }
0x40: {  	_ =	shalt  }
0x41: {  	_ =	shalt  }
0x42: {  	_ =	shalt  }
0x43: {  	_ =	shalt  }
0x44: {  	_ =	shalt  }
0x45: {  	_ =	shalt  }
0x46: {  	_ =	shalt  }
0x47: {  	_ =	shalt  }
0x48: {  	_ =	shalt  }
0x49: {  	_ =	shalt  }
0x4a: {  	_ =	shalt  }
0x4b: {  	_ =	shalt  }
0x4c: {  	_ =	shalt  }
0x4d: {  	_ =	shalt  }
0x4e: {  	_ =	shalt  }
0x4f: {  	_ =	shalt  }
0x50: {  	_ =	shalt  }
0x51: {  	_ =	shalt  }
0x52: {  	_ =	shalt  }
0x53: {  	_ =	shalt  }
0x54: {  	_ =	shalt  }
0x55: {  	_ =	shalt  }
0x56: {  	_ =	shalt  }
0x57: {  	_ =	shalt  }
0x58: {  	_ =	shalt  }
0x59: {  	_ =	shalt  }
0x5a: {  	_ =	shalt  }
0x5b: {  	_ =	shalt  }
0x5c: {  	_ =	shalt  }
0x5d: {  	_ =	shalt  }
0x5e: {  	_ =	shalt  }
0x5f: {  	_ =	shalt  }
0x60: {  	_ =	shalt  }
0x61: {  	_ =	shalt  }
0x62: {  	_ =	shalt  }
0x63: {  	_ =	shalt  }
0x64: {  	_ =	shalt  }
0x65: {  	_ =	shalt  }
0x66: {  	_ =	shalt  }
0x67: {  	_ =	shalt  }
0x68: {  	_ =	shalt  }
0x69: {  	_ =	shalt  }
0x6a: {  	_ =	shalt  }
0x6b: {  	_ =	shalt  }
0x6c: {  	_ =	shalt  }
0x6d: {  	_ =	shalt  }
0x6e: {  	_ =	shalt  }
0x6f: {  	_ =	shalt  }
0x70: {  	_ =	shalt  }
0x71: {  	_ =	shalt  }
0x72: {  	_ =	shalt  }
0x73: {  	_ =	shalt  }
0x74: {  	_ =	shalt  }
0x75: {  	_ =	shalt  }
0x76: {  	_ =	shalt  }
0x77: {  	_ =	shalt  }
0x78: {  	_ =	shalt  }
0x79: {  	_ =	shalt  }
0x7a: {  	_ =	shalt  }
0x7b: {  	_ =	shalt  }
0x7c: {  	_ =	shalt  }
0x7d: {  	_ =	shalt  }
0x7e: {  	_ =	shalt  }
0x7f: {  	_ =	shalt  }
0x80: {  	_ =	shalt  }
0x81: {  	_ =	shalt  }
0x82: {  	_ =	shalt  }
0x83: {  	_ =	shalt  }
0x84: {  	_ =	shalt  }
0x85: {  	_ =	shalt  }
0x86: {  	_ =	shalt  }
0x87: {  	_ =	shalt  }
.Lfunc_end0:
.L_simem_size_0:
called_computation_lowered:
.L_overlay_start_0:
0x88: {  	s2 =	sld [smem:$0x3FD9]  }
0x89: {  	s3 =	sld [smem:$0x3FFE];
	_ =	sdelay $0x1  }
0x8a: {  	s1 =	srdreg.scid  }
0x8b: {  	s0 =	sand.u32 $0x1, s1  }
0x8c: {  	s16 =	sshll.u32 s0, $0xA;
	s2 =	sadd.s32 s3, s2  }
0x8d: {  	s2 =	sadd.s32 s2, s16  }
0x8e: {  	[smem:$0x3FC2] =	sst s2  }
0x8f: {  	_ = 	snop  }
0x90: {  	(tm) =	ssettm $0x1  }
0x91: {  	s17 =	sld [smem:$0x3FFB];
	_ =	sdelay $0x3  }
0x92: {  	_ =	strace s17  }
0x93: {  	s2 =	sld [smem:$0x3FFC];
	_ =	sdelay $0x3  }
0x94: {  	_ =	strace s2  }
0x95: {  	s2 =	sld [smem:$0x3FFD];
	_ =	sdelay $0x3  }
0x96: {  	_ =	strace s2  }
0x97: {  	_ =	strace $0x8FFFFFFF  }
0x98: {  	s18 =	sld [smem:$0x3FDB];
	_ =	sdelay $0x1  }
0x99: {  	s19 =	simm.s32 $_scs_section_size  }
0x9a: {  	s4 =	simm.s32 $_size__tile_overlayer_lowered;
	s5 =	simm.s32 $_tile_overlayer_lowered  }
0x9b: {  	s22 =	simm.s32 $0x1BFF;
	s21 =	sshll.u32 s5, $0x1;
	s2 =	sadd.s32 s19, s18  }
0x9c: {  	s6 =	simm.s32 $0x0;
	s20 =	sshll.u32 s4, $0x1;
	s4 =	sadd.s32 s21, s2  }
0x9d: {  	[timem:s6], [sflag:s22] =	dma.local [hbm:s4], s20  }
0x9e: {  	_ =	swait.ge [sflag:s22], s20  }
0x9f: {  	s3 =	ssub.s32 $0x0, s20;
	[sflag:s22] =	ssyncset.done $0x0  }
0xa0: {  	[sflag:s22] =	ssyncadd.s32 s3;
	_ =	sdelay $0x1  }
0xa1: {  	s23 =	simm.s32 $0x1B8B  }
0xa2: {  	_ =	swait.ge [sflag:s23], $0x1  }
0xa3: {  	[sflag:s23] =	ssyncset.done $0x0  }
0xa4: {  	s25 =	simm.s32 $0x1B8E;
	s24 =	sld [smem:$0x3FFE];
	[sflag:s23] =	ssyncadd.s32 $0xFFFFFFFF  }
0xa5: {  	s26 =	simm.s32 $execute0_lowered;
	[smem:$0x3FD2] =	sst s25  }
0xa6: {  	s4 =	sshll.u32 s26, $0x1;
	_ =	strace $0x80000046;
	[dreg:$0x1] =	wrdreg $0xFFFFFFFF  }
0xa7: {  	s28 =	simm.s32 $_size_execute0_lowered;
	s2 =	sadd.s32 s2, s4;
	[dreg:$0x0] =	wrdreg $0x0  }
0xa8: {  	s4 =	sshll.u32 s28, $0x1;
	[dreg:$0x2] =	wrdreg s2  }
0xa9: {  	[dreg:$0x3] =	wrdreg s4  }
0xaa: {  	[dreg:$0x4] =	wrdreg $0xC0  }
0xab: {  	_ =	task [dreg:s6], $0x5FFFF  }
0xac: {  	[dreg:$0x1] =	wrdreg $0xFFFFFFFF  }
0xad: {  	[dreg:$0x0] =	wrdreg $0x60  }
0xae: {  	[dreg:$0x2] =	wrdreg s24  }
0xaf: {  	[dreg:$0x3] =	wrdreg $0x42000  }
0xb0: {  	[dreg:$0x4] =	wrdreg $0x9  }
0xb1: {  	_ =	task.clear_ibuf [dreg:s6], $0x5FFFF;
	_ =	strace $0x90000046  }
0xb2: {  	s29 =	simm.s32 $0x9;
	_ =	strace $0x80000048  }
0xb3: {  	_ =	swait.ge [sflag:s29], $0x1  }
0xb4: {  	[sflag:s29] =	ssyncadd.s32 $0xFFFFFFFF  }
0xb5: {  	_ =	strace $0x90000048  }
0xb6: {  	_ =	sfence  }
0xb7: {  	s30 =	sld [smem:$0x0];
	_ =	sdelay $0x2  }
0xb8: {  	s31 =	sshll.u32 s1, $0xD;
	s1 =	sshrl.u32 s1, $0x2  }
0xb9: {  	s3 =	sand.u32 $0x4000, s31;
	s1 =	sadd.s32 s1, s30  }
0xba: {  	s0 =	sor.u32 s3, s0;
	s1 =	sshll.u32 s1, $0x11  }
0xbb: {  	s0 =	sor.u32 s1, s0  }
0xbc: {  	s0 =	sadd.s32 $0x8F2B, s0  }
0xbd: {  	[sflag:s0] =	ssyncadd.remote.s32 $0x1  }
0xbe: {  	_ =	sfence.sel $0xFFFF  }
0xbf: {  	[dreg:$0x0] =	wrdreg $0xFFFFFFFF;
	(pc) =	sbr.abs _section_cstart, $3  }
0xc0: {  	[dreg:$0x1] =	wrdreg $0xFFFFFFFF  }
0xc1: {  	_ =	task.clear_ibuf [dreg:s6], $0x2FFFF;
	_ =	strace $0x9FFFFFFF  }
0xc2: {  	(tm) =	ssettm $0x7FFFFFFF  }
0xc3: {  	_ =	shalt  }
tec
execute0_lowered:
.L_overlay_start_1:
0x0: {  	(tag) =	ssettag $0x1  }
0x1: {  	s6 =	rddreg [dreg:$0x0]  }
0x2: {  	s1 =	rddreg [dreg:$0x1]  }
0x3: {  	s2 =	srdreg.scid;
	s0 =	rddreg [dreg:$0x2];
	s3 =	simm.s32 $0x0  }
0x4: {  	s17 =	simm.s32 $0x80;
	s18 =	simm.s32 $0x100;
	s19 =	simm.s32 $0x180  }
0x5: {  	s20 =	simm.s32 $0x3;
	s21 =	simm.s32 $0x1;
	s22 =	simm.s32 $0x6  }
0x6: {  	s23 =	simm.s32 $0x2;
	s7 =	sand.u32 $0x1, s2;
	s2 =	stileid.u32  }
0x7: {  	s24 =	simm.s32 $0x0;
	[smem:$0x7FF] =	sst s3;
	s8 =	smul.u32 $0x140000, s7  }
0x8: {  	s4 =	sadd.s32 $0xC000, s6;
	s11 =	sadd.s32 $0x2000, s6;
	s9 =	smul.u32 $0x14000, s2  }
0x9: {  	s5 =	sadd.s32 $0xC800, s6;
	_ =	strace $0x80000047;
	s12 =	smul.u32 $0x50000, s2  }
0xa: {  	s28 =	sshll.u32 s7, $0x4;
	s10 =	ssub.s32 $0x2, s7;
	s30 =	smul.u32 $0x5000, s7  }
0xb: {  	s15 =	smul.u32 $0x500, s2;
	s31 =	sshll.u32 s2, $0x6;
	s13 =	sshrl.u32 s10, $0x1  }
0xc: {  	s8 =	sadd.s32 s9, s8;
	s9 =	sor.u32 s2, s28;
	s13 =	ssub.s32 s10, s13  }
0xd: {  	s29 =	sshrl.u32 s12, $0x2;
	s12 =	sadd.s32 s30, s11;
	s9 =	smul.u32 $0x500, s9  }
.Ltmp0:
0xe: {  	s8 =	sshrl.u32 s8, $0x3;
	s16 =	sadd.s32 s29, s1;
	(pc) =	sbr.rel .LBB2_1-.Ltmp0, $4  }
0xf: {  	s12 =	sadd.s32 s15, s12;
	s15 =	sor.u32 $0x1C07, s31;
	s14 =	sadd.s32 s8, s6  }
0x10: {  	s16 =	sshrl.u32 s16, $0x3;
	s6 =	sadd.s32 s11, s9;
	s10 =	sadd.s32 $0xF000, s14  }
0x11: {  	s11 =	smax.u32 s13, $0x1;
	s13 =	simm.s32 $0x200;
	s14 =	simm.s32 $0x7  }
0x12: {  	s7 =	sadd.s32 $0x10, s6;
	s8 =	sadd.s32 $0x20, s6;
	s9 =	sadd.s32 $0x30, s6  }
.LBB2_4:
0x13: {  	_ =	swait.ge [sflag:s21], $0x4000  }
0x14: {  	[sflag:s21] =	ssyncset.done $0x0  }
0x15: {  	[sflag:s21] =	ssyncadd.s32 $0xFFFFC000  }
0x16: {  	_ =	swait.ge [sflag:s23], $0x4000  }
0x17: {  	s24 =	sadd.s32 $0x1, s24;
	[sflag:s23] =	ssyncset.done $0x0  }
0x18: {  	p0 =	sne.s32 s24, s11;
	[sflag:s23] =	ssyncadd.s32 $0xFFFFC000  }
.Ltmp1:
0x19: {  	[bflag:$0x0] =	sbarrier.arrive $0xFFFF;
	(pc) =	sbr.rel @!p0 .LBB2_5-.Ltmp1, $4  }
0x1a: {  	[hbm:s10], [sflag:s15] =	dma.local [spmem:s16], $0x2800  }
0x1b: {  	_ =	swait.ge [sflag:s14], $0x2800  }
0x1c: {  	[sflag:s14] =	ssyncset.done $0x0  }
0x1d: {  	[sflag:s14] =	ssyncadd.s32 $0xFFFFD800  }
.LBB2_1:
0x1e: {  	[tilespmem:s13], [sflag:$0x7] =	stream.linear.gather [hbm4b:s4+s3], $0x4000, $0x38;
	[tilespmem:$0x18200] =	vst v63  }
0x1f: {  	_ =	swait.ge [sflag:s14], $0x4000  }
0x20: {  	[sflag:s14] =	ssyncset.done $0x0  }
0x21: {  	[sflag:s14] =	ssyncadd.s32 $0xFFFFC000  }
0x22: {  	[spmem:s16], [sflag:s15] =	dma.local [hbm:s5], $0x2800  }
0x23: {  	_ =	swait.ge [sflag:s14], $0x2800  }
0x24: {  	[sflag:s14] =	ssyncset.done $0x0  }
0x25: {  	[sflag:s14] =	ssyncadd.s32 $0xFFFFD800  }
0x26: {  	[bflag:$0x0] =	sbarrier.arrive $0xFFFF  }
0x27: {  	[tilespmem:s3], [sflag:$0x3] =	stream.linear.gather [hbm4b:s6+s3], $0x80, $0x38;
	[tilespmem:$0x18200] =	vst v63  }
0x28: {  	_ = 	snop  }
0x29: {  	[tilespmem:s17], [sflag:$0x4] =	stream.linear.gather [hbm4b:s7+s3], $0x80, $0x38;
	[tilespmem:$0x18200] =	vst v63  }
0x2a: {  	_ = 	snop  }
0x2b: {  	[tilespmem:s18], [sflag:$0x5] =	stream.linear.gather [hbm4b:s8+s3], $0x80, $0x38;
	[tilespmem:$0x18200] =	vst v63  }
0x2c: {  	s25 =	simm.s32 $0x0  }
0x2d: {  	[tilespmem:s19], [sflag:$0x6] =	stream.linear.gather [hbm4b:s9+s3], $0x80, $0x38;
	[tilespmem:$0x18200] =	vst v63  }
.LBB2_2:
0x2e: {  	_ =	swait.ge [sflag:s20], $0x80  }
0x2f: {  	[sflag:s20] =	ssyncset.done $0x0  }
0x30: {  	[sflag:s20] =	ssyncadd.s32 $0xFFFFFF80  }
0x31: {  	[spmem:s1] =	stream.indirect.scatter.add.f32 [tilespmem:s13], [sflag:$0x1], $0x80, s3, s17, $0xb8;
	[tilespmem:$0x18200] =	vst v63  }
0x32: {  	_ =	swait.ge [sflag:s21], $0x4000  }
0x33: {  	p0 =	seq.s32 s25, $0x4C0;
	[sflag:s21] =	ssyncset.done $0x0  }
0x34: {  	s26 =	simm.s32 @p0 $0x4;
	[sflag:s21] =	ssyncadd.s32 $0xFFFFC000  }
0x35: {  	_ =	swait.ge @p0 [sflag:s26], $0x80  }
0x36: {  	s28 =	simm.s32 @p0 $0x200;
	[sflag:s26] =	ssyncset.done @p0 $0x0  }
0x37: {  	s29 =	simm.s32 @p0 $0x2;
	[sflag:s26] =	ssyncadd.s32 @p0 $0xFFFFFF80;
	s26 =	simm.s32 @p0 $0x80  }
0x38: {  	[spmem:s1] =	stream.indirect.scatter.add.f32 @p0 [tilespmem:s28], [sflag:$0x2], $0x80, s26, s26, $0xb8;
	[tilespmem:$0x18200] =	vst v63  }
0x39: {  	_ =	swait.ge @p0 [sflag:s29], $0x4000  }
0x3a: {  	[sflag:s29] =	ssyncset.done @p0 $0x0  }
0x3b: {  	[sflag:s29] =	ssyncadd.s32 @p0 $0xFFFFC000;
	s29 =	simm.s32 @p0 $0x5  }
0x3c: {  	_ =	swait.ge @p0 [sflag:s29], $0x80  }
0x3d: {  	[sflag:s29] =	ssyncset.done @p0 $0x0  }
0x3e: {  	[sflag:s29] =	ssyncadd.s32 @p0 $0xFFFFFF80;
	s29 =	simm.s32 @p0 $0x100  }
0x3f: {  	[spmem:s1] =	stream.indirect.scatter.add.f32 @p0 [tilespmem:s28], [sflag:$0x1], $0x80, s29, s26, $0xb8;
	[tilespmem:$0x18200] =	vst v63  }
0x40: {  	s26 =	sadd.s32 @!p0 s25, s12  }
0x41: {  	s29 =	simm.s32 @!p0 $0x0;
	s28 =	sadd.s32 @!p0 $0x40, s26  }
0x42: {  	[tilespmem:s29], [sflag:$0x3] =	stream.linear.gather @!p0 [hbm4b:s28+s29], $0x80, $0x38;
	[tilespmem:$0x18200] =	vst v63  }
0x43: {  	s28 =	simm.s32 @!p0 $0x4  }
0x44: {  	_ =	swait.ge @!p0 [sflag:s28], $0x80  }
0x45: {  	s30 =	simm.s32 @!p0 $0x200;
	[sflag:s28] =	ssyncset.done @!p0 $0x0  }
0x46: {  	s31 =	simm.s32 @!p0 $0x2;
	[sflag:s28] =	ssyncadd.s32 @!p0 $0xFFFFFF80;
	s28 =	simm.s32 @!p0 $0x80  }
0x47: {  	[spmem:s1] =	stream.indirect.scatter.add.f32 @!p0 [tilespmem:s30], [sflag:$0x2], $0x80, s28, s28, $0xb8;
	[tilespmem:$0x18200] =	vst v63  }
0x48: {  	_ =	swait.ge @!p0 [sflag:s31], $0x4000  }
0x49: {  	[sflag:s31] =	ssyncset.done @!p0 $0x0  }
0x4a: {  	[sflag:s31] =	ssyncadd.s32 @!p0 $0xFFFFC000;
	s31 =	sadd.s32 @!p0 $0x50, s26  }
0x4b: {  	[tilespmem:s28], [sflag:$0x4] =	stream.linear.gather @!p0 [hbm4b:s31+s29], $0x80, $0x38;
	[tilespmem:$0x18200] =	vst v63  }
0x4c: {  	s31 =	simm.s32 @!p0 $0x5  }
0x4d: {  	_ =	swait.ge @!p0 [sflag:s31], $0x80  }
0x4e: {  	[sflag:s31] =	ssyncset.done @!p0 $0x0  }
0x4f: {  	[sflag:s31] =	ssyncadd.s32 @!p0 $0xFFFFFF80;
	s31 =	simm.s32 @!p0 $0x100  }
0x50: {  	[spmem:s1] =	stream.indirect.scatter.add.f32 @!p0 [tilespmem:s30], [sflag:$0x1], $0x80, s31, s28, $0xb8;
	[tilespmem:$0x18200] =	vst v63  }
0x51: {  	s28 =	simm.s32 @!p0 $0x1  }
0x52: {  	_ =	swait.ge @!p0 [sflag:s28], $0x4000  }
0x53: {  	[sflag:s28] =	ssyncset.done @!p0 $0x0  }
0x54: {  	s26 =	sadd.s32 @!p0 $0x60, s26;
	[sflag:s28] =	ssyncadd.s32 @!p0 $0xFFFFC000  }
0x55: {  	[tilespmem:s31], [sflag:$0x5] =	stream.linear.gather @!p0 [hbm4b:s26+s29], $0x80, $0x38;
	[tilespmem:$0x18200] =	vst v63  }
.Ltmp2:
0x56: {  	_ = 	snop;
	(pc) =	sbr.rel @p0 .LBB2_4-.Ltmp2, $4  }
0x57: {  	_ =	swait.ge [sflag:s22], $0x80  }
0x58: {  	[sflag:s22] =	ssyncset.done $0x0  }
0x59: {  	[sflag:s22] =	ssyncadd.s32 $0xFFFFFF80  }
0x5a: {  	[spmem:s1] =	stream.indirect.scatter.add.f32 [tilespmem:s13], [sflag:$0x2], $0x80, s19, s17, $0xb8;
	[tilespmem:$0x18200] =	vst v63  }
.Ltmp3:
0x5b: {  	(pc) =	sbr.rel .LBB2_2-.Ltmp3, $4  }
0x5c: {  	_ =	swait.ge [sflag:s23], $0x4000  }
0x5d: {  	s26 =	sadd.s32 s25, s12;
	[sflag:s23] =	ssyncset.done $0x0  }
0x5e: {  	s25 =	sadd.s32 $0x40, s25;
	s26 =	sadd.s32 $0x70, s26;
	[sflag:s23] =	ssyncadd.s32 $0xFFFFC000  }
0x5f: {  	[tilespmem:s19], [sflag:$0x6] =	stream.linear.gather [hbm4b:s26+s3], $0x80, $0x38;
	[tilespmem:$0x18200] =	vst v63  }
.LBB2_5:
0x60: {  	_ =	sfence.sel $0x180000  }
0x61: {  	[bflag:$0x0] =	sbarrier.arrive $0xFFFF  }
0x62: {  	p0 =	sne.s32 s2, $0x0;
	_ =	strace $0x90000047  }
0x63: {  	s0 =	sadd.s32 @!p0 $0x100000, s0;
	[bflag:$0x2] =	sbarrier.arrive $0xFFFF  }
0x64: {  	[sflag:s0] =	ssyncadd.tile.s32 @!p0 $0x1;
	_ =	shalt  }
.Lfunc_end2:
_tile_overlayer_lowered:
.L_overlay_start_2:
0x65: {  	(tag) =	ssettag $0x2  }
0x66: {  	s0 =	rddreg [dreg:$0x0];
	s2 =	stileid.u32  }
0x67: {  	s1 =	rddreg [dreg:$0x1];
	p0 =	sne.s32 s2, $0x0  }
0x68: {  	s3 =	rddreg [dreg:$0x2];
	[bflag:$0x3] =	sbarrier.arrive $0xFFFF;
	s2 =	simm.s32 @!p0 $0x1C07  }
0x69: {  	[timem:s3], [sflag:s2] =	dma.local @!p0 [hbm:s0], s1  }
0x6a: {  	s0 =	simm.s32 @!p0 $0x7  }
0x6b: {  	_ =	swait.ge @!p0 [sflag:s0], s1  }
0x6c: {  	s1 =	ssub.s32 @!p0 $0x0, s1;
	[sflag:s0] =	ssyncset.done @!p0 $0x0  }
0x6d: {  	[sflag:s0] =	ssyncadd.s32 @!p0 s1  }
0x6e: {  	[bflag:$0x3] =	sbarrier.arrive $0xFFFF  }
0x6f: {  	_ =	shalt  }

</sc_bundles>
